<compile_context>
chip_gen: v7x
topology: tpu7x:2x2x1
jax: 0.10.2.dev20260603
libtpu: 0.0.44.dev20260713+nightly
codegen_flags: <defaults>
</compile_context>

<pallas_src>
import functools

import jax
import jax.numpy as jnp
from jax import lax
from jax.experimental import pallas as pl
from jax.experimental.pallas import tpu as pltpu
from jax.experimental.pallas import tpu_sc as plsc

_N = 10000
_E = 320000
_D = 128
_G = 64

_NC, _NS, _L = 2, 16, 16
_NW = _NC * _NS
_NR = 80
_NP = _NR * 128
_CHR = _NR // _NS
_CH = _CHR * 128

_NBLK_HI = 79
_NBLK_LO = 78
_EV = _NBLK_HI * 128
_DMA_MAX_BLK = _E // 128 - _NBLK_HI


def _sc_mesh():
    return plsc.VectorSubcoreMesh(
        core_axis_name="c", subcore_axis_name="s",
        num_cores=_NC, num_subcores=_NS)


def _zero_rows(ref, nrows):
    zeros = jnp.zeros((_L,), jnp.float32)

    def body(r, carry):
        for j in range(128 // _L):
            ref[r, pl.ds(j * _L, _L)] = zeros
        return carry

    lax.fori_loop(0, nrows, body, 0)


def _fill_iota(ref, n):
    lane = lax.iota(jnp.int32, _L)
    for j in range(n // _L):
        ref[pl.ds(j * _L, _L)] = lane + j * _L


def _edge_chunk(wid):
    base_blk = _NBLK_LO * wid + jnp.minimum(wid, 4)
    dma_blk = jnp.minimum(base_blk, _DMA_MAX_BLK)
    shift = (base_blk - dma_blk) * 128
    nblk = jnp.where(wid < 4, _NBLK_HI, _NBLK_LO)
    return dma_blk * 128, shift, nblk * (128 // _L)


def _split_idx(i16):
    return lax.shift_right_logical(i16, 7), jnp.bitwise_and(i16, 127)


@functools.cache
def _deg_kernel():
    @functools.partial(
        pl.kernel,
        out_type=jax.ShapeDtypeStruct((_NC, _NR, 128), jnp.float32),
        mesh=_sc_mesh(),
        compiler_params=pltpu.CompilerParams(needs_layout_passes=False),
        scratch_types=[
            pltpu.VMEM((2, _EV), jnp.int32),
            pltpu.VMEM((_NR, 128), jnp.float32),
            pltpu.VMEM((_NR,), jnp.int32),
            pltpu.VMEM_SHARED((_NR, 128), jnp.float32),
        ],
    )
    def deg(edge_hbm, out_hbm, ev, acc_v, idx_v, deg_sh):
        core = lax.axis_index("c")
        sid = lax.axis_index("s")
        wid = sid * _NC + core
        dma_base, shift, n_iters = _edge_chunk(wid)
        pltpu.sync_copy(edge_hbm.at[:, pl.ds(dma_base, _EV)], ev)
        _zero_rows(acc_v, _NR)
        _fill_iota(idx_v, _NR)

        @pl.when(sid == 0)
        def _():
            pltpu.sync_copy(acc_v, deg_sh)

        plsc.subcore_barrier()
        ones = jnp.ones((_L,), jnp.float32)

        @plsc.parallel_loop(0, n_iters, unroll=8)
        def _(i):
            d16 = ev[1, pl.ds(shift + i * _L, _L)]
            r16, c16 = _split_idx(d16)
            plsc.addupdate_scatter(acc_v, [r16, c16], ones)
        pltpu.sync_copy(acc_v, deg_sh.at[idx_v], add=True)
        plsc.subcore_barrier()

        @pl.when(sid == 0)
        def _():
            pltpu.sync_copy(deg_sh, out_hbm.at[core])

    return deg


@functools.cache
def _msg_kernel():
    @functools.partial(
        pl.kernel,
        out_type=[
            jax.ShapeDtypeStruct((_NW, 128), jnp.float32),
            jax.ShapeDtypeStruct((_NW, 128), jnp.float32),
        ],
        mesh=_sc_mesh(),
        compiler_params=pltpu.CompilerParams(needs_layout_passes=False),
        scratch_types=[
            pltpu.VMEM((2, _EV), jnp.int32),
            pltpu.VMEM((_NP,), jnp.float32),
            pltpu.VMEM((_NR, 128), jnp.float32),
            pltpu.VMEM((_NR,), jnp.int32),
            pltpu.VMEM_SHARED((_NR, 128), jnp.float32),
            pltpu.VMEM((_CHR, 128), jnp.float32),
            pltpu.VMEM((_CH,), jnp.float32),
            pltpu.VMEM((_CH,), jnp.float32),
            pltpu.VMEM((_CH,), jnp.int32),
            pltpu.VMEM((128,), jnp.float32),
            pltpu.VMEM((128,), jnp.float32),
        ],
    )
    def msg(edge_hbm, zd_hbm, dinv_hbm, u_hbm, batch_hbm,
            pool_hbm, cnt_hbm,
            ev, zd_v, acc_v, idx_v, t_sh, t_c, dv_c, u_c, b_c,
            pool_v, cnt_v):
        core = lax.axis_index("c")
        sid = lax.axis_index("s")
        wid = sid * _NC + core
        dma_base, shift, n_iters = _edge_chunk(wid)
        pltpu.sync_copy(edge_hbm.at[:, pl.ds(dma_base, _EV)], ev)
        pltpu.sync_copy(zd_hbm, zd_v)
        _zero_rows(acc_v, _NR)
        _fill_iota(idx_v, _NR)

        @pl.when(sid == 0)
        def _():
            pltpu.sync_copy(acc_v, t_sh)

        plsc.subcore_barrier()

        @plsc.parallel_loop(0, n_iters, unroll=8)
        def _(i):
            s16 = ev[0, pl.ds(shift + i * _L, _L)]
            d16 = ev[1, pl.ds(shift + i * _L, _L)]
            vals = plsc.load_gather(zd_v, [s16])
            r16, c16 = _split_idx(d16)
            plsc.addupdate_scatter(acc_v, [r16, c16], vals)
        pltpu.sync_copy(acc_v, t_sh.at[idx_v], add=True)
        plsc.subcore_barrier()

        off = sid * _CH
        off_b = jnp.minimum(off, _N - _CH)
        bshift = off - off_b
        pltpu.sync_copy(t_sh.at[pl.ds(sid * _CHR, _CHR)], t_c)
        pltpu.sync_copy(dinv_hbm.at[pl.ds(off, _CH)], dv_c)
        pltpu.sync_copy(u_hbm.at[pl.ds(off, _CH)], u_c)
        pltpu.sync_copy(batch_hbm.at[pl.ds(off_b, _CH)], b_c)
        lane = lax.iota(jnp.int32, _L)
        zeros = jnp.zeros((_L,), jnp.float32)
        for j in range(128 // _L):
            pool_v[pl.ds(j * _L, _L)] = zeros
            cnt_v[pl.ds(j * _L, _L)] = zeros
        u_scale = jnp.where(core == 0, 1.0, 0.0).astype(jnp.float32)
        cnt16 = jnp.full((_L,), 1.0, jnp.float32) * u_scale

        def pstep(j, carry):
            idx = pl.ds((jnp.bitwise_and(j, 7)) * _L, _L)
            row = lax.shift_right_logical(j, 3)
            valid = (off + j * _L + lane) < _N
            s16 = dv_c[pl.ds(j * _L, _L)] * t_c[row, idx] \
                + u_c[pl.ds(j * _L, _L)] * u_scale
            b16 = b_c[pl.ds(bshift + j * _L, _L)]
            plsc.addupdate_scatter(pool_v, [b16], s16, mask=valid)
            plsc.addupdate_scatter(cnt_v, [b16], cnt16, mask=valid)
            return carry

        lax.fori_loop(0, _CH // _L, pstep, 0)
        pltpu.sync_copy(pool_v, pool_hbm.at[wid])
        pltpu.sync_copy(cnt_v, cnt_hbm.at[wid])

    return msg


def _dot(a, b, dims):
    return lax.dot_general(a, b, (dims, ((), ())),
                           preferred_element_type=jnp.float32,
                           precision=lax.Precision.HIGHEST)


def _prep_z_body(x_ref, w1_ref, wl_ref, z_ref):
    w = _dot(w1_ref[...], wl_ref[...], ((1,), (0,)))
    z = _dot(w, x_ref[...], ((0,), (1,)))
    z = jnp.concatenate(
        [z, jnp.zeros((1, _NP - _N), jnp.float32)], axis=1)
    z_ref[...] = z.reshape(_NR, 128)


_prep_z = pl.pallas_call(
    _prep_z_body,
    out_shape=jax.ShapeDtypeStruct((_NR, 128), jnp.float32),
)


def _prep_c_body(z_ref, degp_ref, zd_ref, dinv_ref, u_ref):
    z = z_ref[...]
    deg = 1.0 + degp_ref[0] + degp_ref[1]
    dinv = 1.0 / jnp.sqrt(deg)
    zd_ref[...] = z * dinv
    dinv_ref[...] = dinv
    u_ref[...] = z / deg


_prep_c = pl.pallas_call(
    _prep_c_body,
    out_shape=[jax.ShapeDtypeStruct((_NR, 128), jnp.float32)] * 3,
)


def _finish_body(pool_ref, cnt_ref, b1r_ref, wl_ref, blr_ref, out_ref):
    psum = jnp.sum(pool_ref[...], axis=0, keepdims=True)[:, :_G]
    cnt = jnp.sum(cnt_ref[...], axis=0, keepdims=True)[:, :_G]
    c1 = _dot(b1r_ref[...], wl_ref[...], ((1,), (0,)))
    outr = (psum + cnt * c1) / jnp.maximum(cnt, 1.0) + blr_ref[...]
    out_ref[...] = outr.reshape(_G, 1)


_finish = pl.pallas_call(
    _finish_body,
    out_shape=jax.ShapeDtypeStruct((_G, 1), jnp.float32),
)


def kernel(x, edge_index, batch, W1, b1, Wl, bl):
    z3 = _prep_z(x, W1, Wl)
    degp = _deg_kernel()(edge_index)
    zd, dinv, u = _prep_c(z3, degp)
    pool_p, cnt_p = _msg_kernel()(
        edge_index, zd.reshape(_NP), dinv.reshape(_NP),
        u.reshape(_NP), batch)
    out = _finish(pool_p, cnt_p, b1.reshape(1, _D), Wl, bl.reshape(1, 1))
    return out

# --- scband reference (transcript-rebuilt; emitter-appended) ---
"""Pipeline reference for scband-gcnregressor-28561532518414 (READ-ONLY COPY).

The authoritative reference and input builder live on the scoring server;
editing this copy changes nothing except your own understanding.
"""

import jax, jax.numpy as jnp
import numpy as np

N = 10000
E = 320000
D_IN = 128
HID = 128
G = 64

def setup_inputs(seed: int = 0):
    key = jax.random.key(seed)
    k1, k2, k3, k4, k5 = jax.random.split(key, 5)
    x = jax.random.normal(k1, (N, D_IN), dtype=jnp.float32)
    edge_index = jax.random.randint(k2, (2, E), 0, N).astype(jnp.int32)
    batch = jnp.sort(jax.random.randint(k3, (N,), 0, G).astype(jnp.int32))
    W1 = jax.random.normal(k4, (D_IN, HID), dtype=jnp.float32) * (1.0 / np.sqrt(D_IN))
    b1 = jnp.zeros((HID,), dtype=jnp.float32)
    Wl = jax.random.normal(k5, (HID, 1), dtype=jnp.float32) * (1.0 / np.sqrt(HID))
    bl = jnp.zeros((1,), dtype=jnp.float32)
    return {"x": x, "edge_index": edge_index, "batch": batch, "W1": W1, "b1": b1, "Wl": Wl, "bl": bl}

def reference(x, edge_index, batch, W1, b1, Wl, bl):
    # GCNConv: x' = D^{-1/2} (A + I) D^{-1/2} (x W) + b   (PyG defaults: add_self_loops=True, normalize=True)
    src = edge_index[0]
    dst = edge_index[1]
    loop = jnp.arange(N, dtype=src.dtype)
    src = jnp.concatenate([src, loop])
    dst = jnp.concatenate([dst, loop])
    xw = x @ W1
    deg = jnp.zeros((N,), dtype=x.dtype).at[dst].add(1.0)
    dinv = jnp.where(deg > 0, 1.0 / jnp.sqrt(deg), 0.0)
    norm = dinv[src] * dinv[dst]
    msg = xw[src] * norm[:, None]
    h = jnp.zeros((N, HID), dtype=x.dtype).at[dst].add(msg) + b1
    # global_mean_pool over batch assignments
    ssum = jax.ops.segment_sum(h, batch, num_segments=G)
    cnt = jax.ops.segment_sum(jnp.ones((N,), dtype=x.dtype), batch, num_segments=G)
    pooled = ssum / jnp.maximum(cnt, 1.0)[:, None]
    # dropout p=0.5 is identity in eval mode (training=False)
    out = pooled @ Wl + bl
    return out

if __name__ == "__main__":
    import jax
    _d = setup_inputs()
    print(jax.jit(kernel)(*tuple(_d.values())))

</pallas_src>

<mosaic_0001>
#map = affine_map<(d0, d1) -> (0, 0)>
#map1 = affine_map<(d0, d1) -> (0, 0, 0)>
module attributes {stable_mosaic.version = 14 : i64} {
  func.func @deg(%arg0: i32, %arg1: i32, %arg2: memref<2x320000xi32, #tpu.memory_space<hbm>>, %arg3: memref<2x80x128xf32, #tpu.memory_space<hbm>>, %arg4: memref<2x10112xi32, #tpu.memory_space<vmem>>, %arg5: memref<80x128xf32, #tpu.memory_space<vmem>>, %arg6: memref<80xi32, #tpu.memory_space<vmem>>, %arg7: memref<80x128xf32, #tpu.memory_space<vmem_shared>>) attributes {dimension_semantics = [#tpu.dimension_semantics<core_parallel>, #tpu.dimension_semantics<subcore_parallel>], iteration_bounds = array<i64: 2, 16>, scalar_prefetch = 0 : i64, scratch_operands = 4 : i64, tpu.core_type = #tpu.core_type<sc_vector_subcore>, window_params = [{transform_indices = #map}, {transform_indices = #map1}]} {
    %mul3A = arith.constant 2 : i32
    %mul3A_0 = arith.muli %arg1, %mul3A : i32
    %add3A = arith.addi %mul3A_0, %arg0 : i32
    %mul3A_1 = arith.constant 78 : i32
    %mul3A_2 = arith.muli %mul3A_1, %add3A : i32
    %min3A = arith.constant 4 : i32
    %min3A_3 = arith.minsi %add3A, %min3A : i32
    %add3A_4 = arith.addi %mul3A_2, %min3A_3 : i32
    %min3A_5 = arith.constant 2421 : i32
    %min3A_6 = arith.minsi %add3A_4, %min3A_5 : i32
    %sub3A = arith.subi %add3A_4, %min3A_6 : i32
    %mul3A_7 = arith.constant 128 : i32
    %mul3A_8 = arith.muli %sub3A, %mul3A_7 : i32
    %lt3A = arith.constant 4 : i32
    %lt3A_9 = arith.cmpi slt, %add3A, %lt3A : i32
    %jit3A = arith.constant 79 : i32
    %jit3A_10 = arith.constant 78 : i32
    %select_n3A = arith.select %lt3A_9, %jit3A, %jit3A_10 : i32
    %mul3A_11 = arith.constant 128 : i32
    %mul3A_12 = arith.muli %min3A_6, %mul3A_11 : i32
    %mul3A_13 = arith.constant 8 : i32
    %mul3A_14 = arith.muli %select_n3A, %mul3A_13 : i32
    "tpu.region"() ({
      %run_scoped3A = tpu.sem_alloc : memref<!tpu.dma_semaphore, #tpu.memory_space<semaphore_mem>>
      %dma_start3A = arith.constant 0 : i32
      %dma_start3A_56 = tpu.memref_slice %arg2[%dma_start3A, %mul3A_12] : memref<2x320000xi32, #tpu.memory_space<hbm>> -> memref<2x10112xi32, #tpu.memory_space<hbm>>
      %dma_start3A_57 = arith.constant 0 : i32
      %dma_start3A_58 = tpu.memref_slice %arg2[%dma_start3A_57, %mul3A_12] : memref<2x320000xi32, #tpu.memory_space<hbm>> -> memref<2x10112xi32, #tpu.memory_space<hbm>>
      tpu.enqueue_dma source(%dma_start3A_58 : memref<2x10112xi32, #tpu.memory_space<hbm>>) target(%arg4 : memref<2x10112xi32, #tpu.memory_space<vmem>>) target_semaphore(%run_scoped3A : memref<!tpu.dma_semaphore, #tpu.memory_space<semaphore_mem>>)
      %dma_wait3A = arith.constant 0 : i32
      %dma_wait3A_59 = tpu.memref_slice %arg2[%dma_wait3A, %mul3A_12] : memref<2x320000xi32, #tpu.memory_space<hbm>> -> memref<2x10112xi32, #tpu.memory_space<hbm>>
      %dma_wait3A_60 = arith.constant 0 : i32
      %dma_wait3A_61 = tpu.memref_slice %arg2[%dma_wait3A_60, %mul3A_12] : memref<2x320000xi32, #tpu.memory_space<hbm>> -> memref<2x10112xi32, #tpu.memory_space<hbm>>
      tpu.wait_dma2 semaphore(%run_scoped3A : memref<!tpu.dma_semaphore, #tpu.memory_space<semaphore_mem>>) src(%dma_wait3A_61 : memref<2x10112xi32, #tpu.memory_space<hbm>>) dst(%arg4 : memref<2x10112xi32, #tpu.memory_space<vmem>>)
      tpu.yield
    }) : () -> ()
    %broadcast_in_dim3A = arith.constant 0.000000e+00 : f32
    %broadcast_in_dim3A_15 = vector.broadcast %broadcast_in_dim3A : f32 to vector<16xf32>
    %scan3A = arith.constant 0 : i32
    %scan3A_16 = arith.constant 0 : i32
    %scan3A_17 = arith.constant 80 : i32
    %scan3A_18 = arith.addi %scan3A_16, %scan3A_17 : i32
    %scan3A_19 = arith.constant 1 : i32
    scf.for %scan3A_56 = %scan3A_16 to %scan3A_18 step %scan3A_19  : i32 {
      %swap3A_57 = arith.index_cast %scan3A_56 : i32 to index
      %swap3A_58 = arith.constant 0 : index
      %swap3A_59 = tpu.vector_load %arg5[%swap3A_57, %swap3A_58] {strides = array<i32>} : memref<80x128xf32, #tpu.memory_space<vmem>>, vector<16xf32>,
      tpu.vector_store %arg5[%swap3A_57, %swap3A_58], %broadcast_in_dim3A_15 {strides = array<i32>} : memref<80x128xf32, #tpu.memory_space<vmem>>, vector<16xf32>,
      %swap3A_60 = arith.index_cast %scan3A_56 : i32 to index
      %swap3A_61 = arith.constant 16 : index
      %swap3A_62 = tpu.vector_load %arg5[%swap3A_60, %swap3A_61] {strides = array<i32>} : memref<80x128xf32, #tpu.memory_space<vmem>>, vector<16xf32>,
      tpu.vector_store %arg5[%swap3A_60, %swap3A_61], %broadcast_in_dim3A_15 {strides = array<i32>} : memref<80x128xf32, #tpu.memory_space<vmem>>, vector<16xf32>,
      %swap3A_63 = arith.index_cast %scan3A_56 : i32 to index
      %swap3A_64 = arith.constant 32 : index
      %swap3A_65 = tpu.vector_load %arg5[%swap3A_63, %swap3A_64] {strides = array<i32>} : memref<80x128xf32, #tpu.memory_space<vmem>>, vector<16xf32>,
      tpu.vector_store %arg5[%swap3A_63, %swap3A_64], %broadcast_in_dim3A_15 {strides = array<i32>} : memref<80x128xf32, #tpu.memory_space<vmem>>, vector<16xf32>,
      %swap3A_66 = arith.index_cast %scan3A_56 : i32 to index
      %swap3A_67 = arith.constant 48 : index
      %swap3A_68 = tpu.vector_load %arg5[%swap3A_66, %swap3A_67] {strides = array<i32>} : memref<80x128xf32, #tpu.memory_space<vmem>>, vector<16xf32>,
      tpu.vector_store %arg5[%swap3A_66, %swap3A_67], %broadcast_in_dim3A_15 {strides = array<i32>} : memref<80x128xf32, #tpu.memory_space<vmem>>, vector<16xf32>,
      %swap3A_69 = arith.index_cast %scan3A_56 : i32 to index
      %swap3A_70 = arith.constant 64 : index
      %swap3A_71 = tpu.vector_load %arg5[%swap3A_69, %swap3A_70] {strides = array<i32>} : memref<80x128xf32, #tpu.memory_space<vmem>>, vector<16xf32>,
      tpu.vector_store %arg5[%swap3A_69, %swap3A_70], %broadcast_in_dim3A_15 {strides = array<i32>} : memref<80x128xf32, #tpu.memory_space<vmem>>, vector<16xf32>,
      %swap3A_72 = arith.index_cast %scan3A_56 : i32 to index
      %swap3A_73 = arith.constant 80 : index
      %swap3A_74 = tpu.vector_load %arg5[%swap3A_72, %swap3A_73] {strides = array<i32>} : memref<80x128xf32, #tpu.memory_space<vmem>>, vector<16xf32>,
      tpu.vector_store %arg5[%swap3A_72, %swap3A_73], %broadcast_in_dim3A_15 {strides = array<i32>} : memref<80x128xf32, #tpu.memory_space<vmem>>, vector<16xf32>,
      %swap3A_75 = arith.index_cast %scan3A_56 : i32 to index
      %swap3A_76 = arith.constant 96 : index
      %swap3A_77 = tpu.vector_load %arg5[%swap3A_75, %swap3A_76] {strides = array<i32>} : memref<80x128xf32, #tpu.memory_space<vmem>>, vector<16xf32>,
      tpu.vector_store %arg5[%swap3A_75, %swap3A_76], %broadcast_in_dim3A_15 {strides = array<i32>} : memref<80x128xf32, #tpu.memory_space<vmem>>, vector<16xf32>,
      %swap3A_78 = arith.index_cast %scan3A_56 : i32 to index
      %swap3A_79 = arith.constant 112 : index
      %swap3A_80 = tpu.vector_load %arg5[%swap3A_78, %swap3A_79] {strides = array<i32>} : memref<80x128xf32, #tpu.memory_space<vmem>>, vector<16xf32>,
      tpu.vector_store %arg5[%swap3A_78, %swap3A_79], %broadcast_in_dim3A_15 {strides = array<i32>} : memref<80x128xf32, #tpu.memory_space<vmem>>, vector<16xf32>,
    }
    %scan3A_20 = arith.constant 80 : i32
    %iota3A = tpu.iota {dimensions = array<i32: 0>} : vector<16xi32>
    %add3A_21 = arith.constant 0 : i32
    %add3A_22 = vector.broadcast %add3A_21 : i32 to vector<16xi32>
    %add3A_23 = arith.addi %iota3A, %add3A_22 : vector<16xi32>
    %swap3A = arith.constant 0 : index
    %swap3A_24 = tpu.vector_load %arg6[%swap3A] {strides = array<i32>} : memref<80xi32, #tpu.memory_space<vmem>>, vector<16xi32>,
    tpu.vector_store %arg6[%swap3A], %add3A_23 {strides = array<i32>} : memref<80xi32, #tpu.memory_space<vmem>>, vector<16xi32>,
    %add3A_25 = arith.constant 16 : i32
    %add3A_26 = vector.broadcast %add3A_25 : i32 to vector<16xi32>
    %add3A_27 = arith.addi %iota3A, %add3A_26 : vector<16xi32>
    %swap3A_28 = arith.constant 16 : index
    %swap3A_29 = tpu.vector_load %arg6[%swap3A_28] {strides = array<i32>} : memref<80xi32, #tpu.memory_space<vmem>>, vector<16xi32>,
    tpu.vector_store %arg6[%swap3A_28], %add3A_27 {strides = array<i32>} : memref<80xi32, #tpu.memory_space<vmem>>, vector<16xi32>,
    %add3A_30 = arith.constant 32 : i32
    %add3A_31 = vector.broadcast %add3A_30 : i32 to vector<16xi32>
    %add3A_32 = arith.addi %iota3A, %add3A_31 : vector<16xi32>
    %swap3A_33 = arith.constant 32 : index
    %swap3A_34 = tpu.vector_load %arg6[%swap3A_33] {strides = array<i32>} : memref<80xi32, #tpu.memory_space<vmem>>, vector<16xi32>,
    tpu.vector_store %arg6[%swap3A_33], %add3A_32 {strides = array<i32>} : memref<80xi32, #tpu.memory_space<vmem>>, vector<16xi32>,
    %add3A_35 = arith.constant 48 : i32
    %add3A_36 = vector.broadcast %add3A_35 : i32 to vector<16xi32>
    %add3A_37 = arith.addi %iota3A, %add3A_36 : vector<16xi32>
    %swap3A_38 = arith.constant 48 : index
    %swap3A_39 = tpu.vector_load %arg6[%swap3A_38] {strides = array<i32>} : memref<80xi32, #tpu.memory_space<vmem>>, vector<16xi32>,
    tpu.vector_store %arg6[%swap3A_38], %add3A_37 {strides = array<i32>} : memref<80xi32, #tpu.memory_space<vmem>>, vector<16xi32>,
    %add3A_40 = arith.constant 64 : i32
    %add3A_41 = vector.broadcast %add3A_40 : i32 to vector<16xi32>
    %add3A_42 = arith.addi %iota3A, %add3A_41 : vector<16xi32>
    %swap3A_43 = arith.constant 64 : index
    %swap3A_44 = tpu.vector_load %arg6[%swap3A_43] {strides = array<i32>} : memref<80xi32, #tpu.memory_space<vmem>>, vector<16xi32>,
    tpu.vector_store %arg6[%swap3A_43], %add3A_42 {strides = array<i32>} : memref<80xi32, #tpu.memory_space<vmem>>, vector<16xi32>,
    %eq3A = arith.constant 0 : i32
    %eq3A_45 = arith.cmpi eq, %arg1, %eq3A : i32
    %convert_element_type3A = arith.extui %eq3A_45 : i1 to i32
    %cond3A = arith.constant 0 : i32
    %cond3A_46 = arith.cmpi ne, %convert_element_type3A, %cond3A : i32
    scf.if %cond3A_46 {
      "tpu.region"() ({
        %run_scoped3A = tpu.sem_alloc : memref<!tpu.dma_semaphore, #tpu.memory_space<semaphore_mem>>
        tpu.enqueue_dma source(%arg5 : memref<80x128xf32, #tpu.memory_space<vmem>>) target(%arg7 : memref<80x128xf32, #tpu.memory_space<vmem_shared>>) target_semaphore(%run_scoped3A : memref<!tpu.dma_semaphore, #tpu.memory_space<semaphore_mem>>)
        tpu.wait_dma2 semaphore(%run_scoped3A : memref<!tpu.dma_semaphore, #tpu.memory_space<semaphore_mem>>) src(%arg5 : memref<80x128xf32, #tpu.memory_space<vmem>>) dst(%arg7 : memref<80x128xf32, #tpu.memory_space<vmem_shared>>)
        tpu.yield
      }) : () -> ()
    } else {
    }
    %barrier3A = arith.constant 0 : index
    tpu.barrier barrier_id(%barrier3A)
    %broadcast_in_dim3A_47 = arith.constant 1.000000e+00 : f32
    %broadcast_in_dim3A_48 = vector.broadcast %broadcast_in_dim3A_47 : f32 to vector<16xf32>
    %parallel_loop3A = arith.constant 0 : i32
    %parallel_loop3A_49 = arith.constant 1 : i32
    scf.for %parallel_loop3A_56 = %parallel_loop3A to %mul3A_14 step %parallel_loop3A_49  : i32 {
      %parallel_loop3A_57 = arith.constant 16 : i32
      %parallel_loop3A_58 = arith.muli %parallel_loop3A_56, %parallel_loop3A_57 : i32
      %parallel_loop3A_59 = arith.addi %mul3A_8, %parallel_loop3A_58 : i32
      %parallel_loop3A_60 = arith.constant 1 : i32
      %parallel_loop3A_61 = arith.index_cast %parallel_loop3A_60 : i32 to index
      %parallel_loop3A_62 = arith.index_cast %parallel_loop3A_59 : i32 to index
      %parallel_loop3A_63 = tpu.vector_load %arg4[%parallel_loop3A_61, %parallel_loop3A_62] {strides = array<i32>} : memref<2x10112xi32, #tpu.memory_space<vmem>>, vector<16xi32>,
      %parallel_loop3A_64 = arith.constant 7 : i32
      %parallel_loop3A_65 = vector.broadcast %parallel_loop3A_64 : i32 to vector<16xi32>
      %parallel_loop3A_66 = arith.shrui %parallel_loop3A_63, %parallel_loop3A_65 : vector<16xi32>
      %parallel_loop3A_67 = arith.constant 127 : i32
      %parallel_loop3A_68 = vector.broadcast %parallel_loop3A_67 : i32 to vector<16xi32>
      %parallel_loop3A_69 = arith.andi %parallel_loop3A_63, %parallel_loop3A_68 : vector<16xi32>
      tpu.vector_store_idx %arg5[%parallel_loop3A_66, %parallel_loop3A_69], %broadcast_in_dim3A_48 {add = true} : memref<80x128xf32, #tpu.memory_space<vmem>>[vector<16xi32>, vector<16xi32>], vector<16xf32>,
    } {sc.loop_unroll_factor = 8 : i64, sc.parallel_access}
    "tpu.region"() ({
      %run_scoped3A = tpu.sem_alloc : memref<!tpu.dma_semaphore, #tpu.memory_space<semaphore_mem>>
      %dma_start3A = arith.constant 0 : i32
      %dma_start3A_56 = arith.constant 0 : i32
      %dma_start3A_57 = tpu.memref_slice %arg7[%dma_start3A, %dma_start3A_56] : memref<80x128xf32, #tpu.memory_space<vmem_shared>> -> memref<80x128xf32, #tpu.memory_space<vmem_shared>>
      tpu.enqueue_indirect_dma source(%arg5 : memref<80x128xf32, #tpu.memory_space<vmem>>) target(%dma_start3A_57 : memref<80x128xf32, #tpu.memory_space<vmem_shared>>) offsets(%arg6 : memref<80xi32, #tpu.memory_space<vmem>>) semaphore(%run_scoped3A : memref<!tpu.dma_semaphore, #tpu.memory_space<semaphore_mem>>) {add = true}
      %dma_wait3A = arith.constant 0 : i32
      %dma_wait3A_58 = arith.constant 0 : i32
      %dma_wait3A_59 = tpu.memref_slice %arg7[%dma_wait3A, %dma_wait3A_58] : memref<80x128xf32, #tpu.memory_space<vmem_shared>> -> memref<80x128xf32, #tpu.memory_space<vmem_shared>>
      tpu.wait_indirect_dma semaphore(%run_scoped3A : memref<!tpu.dma_semaphore, #tpu.memory_space<semaphore_mem>>) src(%arg5 : memref<80x128xf32, #tpu.memory_space<vmem>>) dst(%dma_wait3A_59 : memref<80x128xf32, #tpu.memory_space<vmem_shared>>)
      tpu.yield
    }) : () -> ()
    %barrier3A_50 = arith.constant 0 : index
    tpu.barrier barrier_id(%barrier3A_50)
    %eq3A_51 = arith.constant 0 : i32
    %eq3A_52 = arith.cmpi eq, %arg1, %eq3A_51 : i32
    %convert_element_type3A_53 = arith.extui %eq3A_52 : i1 to i32
    %cond3A_54 = arith.constant 0 : i32
    %cond3A_55 = arith.cmpi ne, %convert_element_type3A_53, %cond3A_54 : i32
    scf.if %cond3A_55 {
      "tpu.region"() ({
        %run_scoped3A = tpu.sem_alloc : memref<!tpu.dma_semaphore, #tpu.memory_space<semaphore_mem>>
        %dma_start3A = arith.constant 0 : i32
        %dma_start3A_56 = arith.constant 0 : i32
        %dma_start3A_57 = tpu.memref_slice %arg3[%arg0, %dma_start3A, %dma_start3A_56] : memref<2x80x128xf32, #tpu.memory_space<hbm>> -> memref<1x80x128xf32, #tpu.memory_space<hbm>>
        %dma_start3A_58 = tpu.memref_squeeze %dma_start3A_57 : memref<1x80x128xf32, #tpu.memory_space<hbm>> -> memref<80x128xf32, #tpu.memory_space<hbm>>
        tpu.enqueue_dma source(%arg7 : memref<80x128xf32, #tpu.memory_space<vmem_shared>>) target(%dma_start3A_58 : memref<80x128xf32, #tpu.memory_space<hbm>>) target_semaphore(%run_scoped3A : memref<!tpu.dma_semaphore, #tpu.memory_space<semaphore_mem>>)
        %dma_wait3A = arith.constant 0 : i32
        %dma_wait3A_59 = arith.constant 0 : i32
        %dma_wait3A_60 = tpu.memref_slice %arg3[%arg0, %dma_wait3A, %dma_wait3A_59] : memref<2x80x128xf32, #tpu.memory_space<hbm>> -> memref<1x80x128xf32, #tpu.memory_space<hbm>>
        %dma_wait3A_61 = tpu.memref_squeeze %dma_wait3A_60 : memref<1x80x128xf32, #tpu.memory_space<hbm>> -> memref<80x128xf32, #tpu.memory_space<hbm>>
        tpu.wait_dma2 semaphore(%run_scoped3A : memref<!tpu.dma_semaphore, #tpu.memory_space<semaphore_mem>>) src(%arg7 : memref<80x128xf32, #tpu.memory_space<vmem_shared>>) dst(%dma_wait3A_61 : memref<80x128xf32, #tpu.memory_space<hbm>>)
        tpu.yield
      }) : () -> ()
    } else {
    }
    return
  }
}

#map = affine_map<(d0, d1) -> (0, 0)>
#map1 = affine_map<(d0, d1) -> (0)>
module attributes {stable_mosaic.version = 14 : i64} {
  func.func @msg(%arg0: i32, %arg1: i32, %arg2: memref<2x320000xi32, #tpu.memory_space<hbm>>, %arg3: memref<10240xf32, #tpu.memory_space<hbm>>, %arg4: memref<10240xf32, #tpu.memory_space<hbm>>, %arg5: memref<10240xf32, #tpu.memory_space<hbm>>, %arg6: memref<10000xi32, #tpu.memory_space<hbm>>, %arg7: memref<32x128xf32, #tpu.memory_space<hbm>>, %arg8: memref<32x128xf32, #tpu.memory_space<hbm>>, %arg9: memref<2x10112xi32, #tpu.memory_space<vmem>>, %arg10: memref<10240xf32, #tpu.memory_space<vmem>>, %arg11: memref<80x128xf32, #tpu.memory_space<vmem>>, %arg12: memref<80xi32, #tpu.memory_space<vmem>>, %arg13: memref<80x128xf32, #tpu.memory_space<vmem_shared>>, %arg14: memref<5x128xf32, #tpu.memory_space<vmem>>, %arg15: memref<640xf32, #tpu.memory_space<vmem>>, %arg16: memref<640xf32, #tpu.memory_space<vmem>>, %arg17: memref<640xi32, #tpu.memory_space<vmem>>, %arg18: memref<128xf32, #tpu.memory_space<vmem>>, %arg19: memref<128xf32, #tpu.memory_space<vmem>>) attributes {dimension_semantics = [#tpu.dimension_semantics<core_parallel>, #tpu.dimension_semantics<subcore_parallel>], iteration_bounds = array<i64: 2, 16>, scalar_prefetch = 0 : i64, scratch_operands = 11 : i64, tpu.core_type = #tpu.core_type<sc_vector_subcore>, window_params = [{transform_indices = #map}, {transform_indices = #map1}, {transform_indices = #map1}, {transform_indices = #map1}, {transform_indices = #map1}, {transform_indices = #map}, {transform_indices = #map}]} {
    %mul3A = arith.constant 2 : i32
    %mul3A_0 = arith.muli %arg1, %mul3A : i32
    %add3A = arith.addi %mul3A_0, %arg0 : i32
    %mul3A_1 = arith.constant 78 : i32
    %mul3A_2 = arith.muli %mul3A_1, %add3A : i32
    %min3A = arith.constant 4 : i32
    %min3A_3 = arith.minsi %add3A, %min3A : i32
    %add3A_4 = arith.addi %mul3A_2, %min3A_3 : i32
    %min3A_5 = arith.constant 2421 : i32
    %min3A_6 = arith.minsi %add3A_4, %min3A_5 : i32
    %sub3A = arith.subi %add3A_4, %min3A_6 : i32
    %mul3A_7 = arith.constant 128 : i32
    %mul3A_8 = arith.muli %sub3A, %mul3A_7 : i32
    %lt3A = arith.constant 4 : i32
    %lt3A_9 = arith.cmpi slt, %add3A, %lt3A : i32
    %jit3A = arith.constant 79 : i32
    %jit3A_10 = arith.constant 78 : i32
    %select_n3A = arith.select %lt3A_9, %jit3A, %jit3A_10 : i32
    %mul3A_11 = arith.constant 128 : i32
    %mul3A_12 = arith.muli %min3A_6, %mul3A_11 : i32
    %mul3A_13 = arith.constant 8 : i32
    %mul3A_14 = arith.muli %select_n3A, %mul3A_13 : i32
    "tpu.region"() ({
      %run_scoped3A = tpu.sem_alloc : memref<!tpu.dma_semaphore, #tpu.memory_space<semaphore_mem>>
      %dma_start3A = arith.constant 0 : i32
      %dma_start3A_106 = tpu.memref_slice %arg2[%dma_start3A, %mul3A_12] : memref<2x320000xi32, #tpu.memory_space<hbm>> -> memref<2x10112xi32, #tpu.memory_space<hbm>>
      %dma_start3A_107 = arith.constant 0 : i32
      %dma_start3A_108 = tpu.memref_slice %arg2[%dma_start3A_107, %mul3A_12] : memref<2x320000xi32, #tpu.memory_space<hbm>> -> memref<2x10112xi32, #tpu.memory_space<hbm>>
      tpu.enqueue_dma source(%dma_start3A_108 : memref<2x10112xi32, #tpu.memory_space<hbm>>) target(%arg9 : memref<2x10112xi32, #tpu.memory_space<vmem>>) target_semaphore(%run_scoped3A : memref<!tpu.dma_semaphore, #tpu.memory_space<semaphore_mem>>)
      %dma_wait3A = arith.constant 0 : i32
      %dma_wait3A_109 = tpu.memref_slice %arg2[%dma_wait3A, %mul3A_12] : memref<2x320000xi32, #tpu.memory_space<hbm>> -> memref<2x10112xi32, #tpu.memory_space<hbm>>
      %dma_wait3A_110 = arith.constant 0 : i32
      %dma_wait3A_111 = tpu.memref_slice %arg2[%dma_wait3A_110, %mul3A_12] : memref<2x320000xi32, #tpu.memory_space<hbm>> -> memref<2x10112xi32, #tpu.memory_space<hbm>>
      tpu.wait_dma2 semaphore(%run_scoped3A : memref<!tpu.dma_semaphore, #tpu.memory_space<semaphore_mem>>) src(%dma_wait3A_111 : memref<2x10112xi32, #tpu.memory_space<hbm>>) dst(%arg9 : memref<2x10112xi32, #tpu.memory_space<vmem>>)
      tpu.yield
    }) : () -> ()
    "tpu.region"() ({
      %run_scoped3A = tpu.sem_alloc : memref<!tpu.dma_semaphore, #tpu.memory_space<semaphore_mem>>
      tpu.enqueue_dma source(%arg3 : memref<10240xf32, #tpu.memory_space<hbm>>) target(%arg10 : memref<10240xf32, #tpu.memory_space<vmem>>) target_semaphore(%run_scoped3A : memref<!tpu.dma_semaphore, #tpu.memory_space<semaphore_mem>>)
      tpu.wait_dma2 semaphore(%run_scoped3A : memref<!tpu.dma_semaphore, #tpu.memory_space<semaphore_mem>>) src(%arg3 : memref<10240xf32, #tpu.memory_space<hbm>>) dst(%arg10 : memref<10240xf32, #tpu.memory_space<vmem>>)
      tpu.yield
    }) : () -> ()
    %broadcast_in_dim3A = arith.constant 0.000000e+00 : f32
    %broadcast_in_dim3A_15 = vector.broadcast %broadcast_in_dim3A : f32 to vector<16xf32>
    %scan3A = arith.constant 0 : i32
    %scan3A_16 = arith.constant 0 : i32
    %scan3A_17 = arith.constant 80 : i32
    %scan3A_18 = arith.addi %scan3A_16, %scan3A_17 : i32
    %scan3A_19 = arith.constant 1 : i32
    scf.for %scan3A_106 = %scan3A_16 to %scan3A_18 step %scan3A_19  : i32 {
      %swap3A_107 = arith.index_cast %scan3A_106 : i32 to index
      %swap3A_108 = arith.constant 0 : index
      %swap3A_109 = tpu.vector_load %arg11[%swap3A_107, %swap3A_108] {strides = array<i32>} : memref<80x128xf32, #tpu.memory_space<vmem>>, vector<16xf32>,
      tpu.vector_store %arg11[%swap3A_107, %swap3A_108], %broadcast_in_dim3A_15 {strides = array<i32>} : memref<80x128xf32, #tpu.memory_space<vmem>>, vector<16xf32>,
      %swap3A_110 = arith.index_cast %scan3A_106 : i32 to index
      %swap3A_111 = arith.constant 16 : index
      %swap3A_112 = tpu.vector_load %arg11[%swap3A_110, %swap3A_111] {strides = array<i32>} : memref<80x128xf32, #tpu.memory_space<vmem>>, vector<16xf32>,
      tpu.vector_store %arg11[%swap3A_110, %swap3A_111], %broadcast_in_dim3A_15 {strides = array<i32>} : memref<80x128xf32, #tpu.memory_space<vmem>>, vector<16xf32>,
      %swap3A_113 = arith.index_cast %scan3A_106 : i32 to index
      %swap3A_114 = arith.constant 32 : index
      %swap3A_115 = tpu.vector_load %arg11[%swap3A_113, %swap3A_114] {strides = array<i32>} : memref<80x128xf32, #tpu.memory_space<vmem>>, vector<16xf32>,
      tpu.vector_store %arg11[%swap3A_113, %swap3A_114], %broadcast_in_dim3A_15 {strides = array<i32>} : memref<80x128xf32, #tpu.memory_space<vmem>>, vector<16xf32>,
      %swap3A_116 = arith.index_cast %scan3A_106 : i32 to index
      %swap3A_117 = arith.constant 48 : index
      %swap3A_118 = tpu.vector_load %arg11[%swap3A_116, %swap3A_117] {strides = array<i32>} : memref<80x128xf32, #tpu.memory_space<vmem>>, vector<16xf32>,
      tpu.vector_store %arg11[%swap3A_116, %swap3A_117], %broadcast_in_dim3A_15 {strides = array<i32>} : memref<80x128xf32, #tpu.memory_space<vmem>>, vector<16xf32>,
      %swap3A_119 = arith.index_cast %scan3A_106 : i32 to index
      %swap3A_120 = arith.constant 64 : index
      %swap3A_121 = tpu.vector_load %arg11[%swap3A_119, %swap3A_120] {strides = array<i32>} : memref<80x128xf32, #tpu.memory_space<vmem>>, vector<16xf32>,
      tpu.vector_store %arg11[%swap3A_119, %swap3A_120], %broadcast_in_dim3A_15 {strides = array<i32>} : memref<80x128xf32, #tpu.memory_space<vmem>>, vector<16xf32>,
      %swap3A_122 = arith.index_cast %scan3A_106 : i32 to index
      %swap3A_123 = arith.constant 80 : index
      %swap3A_124 = tpu.vector_load %arg11[%swap3A_122, %swap3A_123] {strides = array<i32>} : memref<80x128xf32, #tpu.memory_space<vmem>>, vector<16xf32>,
      tpu.vector_store %arg11[%swap3A_122, %swap3A_123], %broadcast_in_dim3A_15 {strides = array<i32>} : memref<80x128xf32, #tpu.memory_space<vmem>>, vector<16xf32>,
      %swap3A_125 = arith.index_cast %scan3A_106 : i32 to index
      %swap3A_126 = arith.constant 96 : index
      %swap3A_127 = tpu.vector_load %arg11[%swap3A_125, %swap3A_126] {strides = array<i32>} : memref<80x128xf32, #tpu.memory_space<vmem>>, vector<16xf32>,
      tpu.vector_store %arg11[%swap3A_125, %swap3A_126], %broadcast_in_dim3A_15 {strides = array<i32>} : memref<80x128xf32, #tpu.memory_space<vmem>>, vector<16xf32>,
      %swap3A_128 = arith.index_cast %scan3A_106 : i32 to index
      %swap3A_129 = arith.constant 112 : index
      %swap3A_130 = tpu.vector_load %arg11[%swap3A_128, %swap3A_129] {strides = array<i32>} : memref<80x128xf32, #tpu.memory_space<vmem>>, vector<16xf32>,
      tpu.vector_store %arg11[%swap3A_128, %swap3A_129], %broadcast_in_dim3A_15 {strides = array<i32>} : memref<80x128xf32, #tpu.memory_space<vmem>>, vector<16xf32>,
    }
    %scan3A_20 = arith.constant 80 : i32
    %iota3A = tpu.iota {dimensions = array<i32: 0>} : vector<16xi32>
    %add3A_21 = arith.constant 0 : i32
    %add3A_22 = vector.broadcast %add3A_21 : i32 to vector<16xi32>
    %add3A_23 = arith.addi %iota3A, %add3A_22 : vector<16xi32>
    %swap3A = arith.constant 0 : index
    %swap3A_24 = tpu.vector_load %arg12[%swap3A] {strides = array<i32>} : memref<80xi32, #tpu.memory_space<vmem>>, vector<16xi32>,
    tpu.vector_store %arg12[%swap3A], %add3A_23 {strides = array<i32>} : memref<80xi32, #tpu.memory_space<vmem>>, vector<16xi32>,
    %add3A_25 = arith.constant 16 : i32
    %add3A_26 = vector.broadcast %add3A_25 : i32 to vector<16xi32>
    %add3A_27 = arith.addi %iota3A, %add3A_26 : vector<16xi32>
    %swap3A_28 = arith.constant 16 : index
    %swap3A_29 = tpu.vector_load %arg12[%swap3A_28] {strides = array<i32>} : memref<80xi32, #tpu.memory_space<vmem>>, vector<16xi32>,
    tpu.vector_store %arg12[%swap3A_28], %add3A_27 {strides = array<i32>} : memref<80xi32, #tpu.memory_space<vmem>>, vector<16xi32>,
    %add3A_30 = arith.constant 32 : i32
    %add3A_31 = vector.broadcast %add3A_30 : i32 to vector<16xi32>
    %add3A_32 = arith.addi %iota3A, %add3A_31 : vector<16xi32>
    %swap3A_33 = arith.constant 32 : index
    %swap3A_34 = tpu.vector_load %arg12[%swap3A_33] {strides = array<i32>} : memref<80xi32, #tpu.memory_space<vmem>>, vector<16xi32>,
    tpu.vector_store %arg12[%swap3A_33], %add3A_32 {strides = array<i32>} : memref<80xi32, #tpu.memory_space<vmem>>, vector<16xi32>,
    %add3A_35 = arith.constant 48 : i32
    %add3A_36 = vector.broadcast %add3A_35 : i32 to vector<16xi32>
    %add3A_37 = arith.addi %iota3A, %add3A_36 : vector<16xi32>
    %swap3A_38 = arith.constant 48 : index
    %swap3A_39 = tpu.vector_load %arg12[%swap3A_38] {strides = array<i32>} : memref<80xi32, #tpu.memory_space<vmem>>, vector<16xi32>,
    tpu.vector_store %arg12[%swap3A_38], %add3A_37 {strides = array<i32>} : memref<80xi32, #tpu.memory_space<vmem>>, vector<16xi32>,
    %add3A_40 = arith.constant 64 : i32
    %add3A_41 = vector.broadcast %add3A_40 : i32 to vector<16xi32>
    %add3A_42 = arith.addi %iota3A, %add3A_41 : vector<16xi32>
    %swap3A_43 = arith.constant 64 : index
    %swap3A_44 = tpu.vector_load %arg12[%swap3A_43] {strides = array<i32>} : memref<80xi32, #tpu.memory_space<vmem>>, vector<16xi32>,
    tpu.vector_store %arg12[%swap3A_43], %add3A_42 {strides = array<i32>} : memref<80xi32, #tpu.memory_space<vmem>>, vector<16xi32>,
    %eq3A = arith.constant 0 : i32
    %eq3A_45 = arith.cmpi eq, %arg1, %eq3A : i32
    %convert_element_type3A = arith.extui %eq3A_45 : i1 to i32
    %cond3A = arith.constant 0 : i32
    %cond3A_46 = arith.cmpi ne, %convert_element_type3A, %cond3A : i32
    scf.if %cond3A_46 {
      "tpu.region"() ({
        %run_scoped3A = tpu.sem_alloc : memref<!tpu.dma_semaphore, #tpu.memory_space<semaphore_mem>>
        tpu.enqueue_dma source(%arg11 : memref<80x128xf32, #tpu.memory_space<vmem>>) target(%arg13 : memref<80x128xf32, #tpu.memory_space<vmem_shared>>) target_semaphore(%run_scoped3A : memref<!tpu.dma_semaphore, #tpu.memory_space<semaphore_mem>>)
        tpu.wait_dma2 semaphore(%run_scoped3A : memref<!tpu.dma_semaphore, #tpu.memory_space<semaphore_mem>>) src(%arg11 : memref<80x128xf32, #tpu.memory_space<vmem>>) dst(%arg13 : memref<80x128xf32, #tpu.memory_space<vmem_shared>>)
        tpu.yield
      }) : () -> ()
    } else {
    }
    %barrier3A = arith.constant 0 : index
    tpu.barrier barrier_id(%barrier3A)
    %parallel_loop3A = arith.constant 0 : i32
    %parallel_loop3A_47 = arith.constant 1 : i32
    scf.for %parallel_loop3A_106 = %parallel_loop3A to %mul3A_14 step %parallel_loop3A_47  : i32 {
      %parallel_loop3A_107 = arith.constant 16 : i32
      %parallel_loop3A_108 = arith.muli %parallel_loop3A_106, %parallel_loop3A_107 : i32
      %parallel_loop3A_109 = arith.addi %mul3A_8, %parallel_loop3A_108 : i32
      %parallel_loop3A_110 = arith.constant 0 : i32
      %parallel_loop3A_111 = arith.index_cast %parallel_loop3A_110 : i32 to index
      %parallel_loop3A_112 = arith.index_cast %parallel_loop3A_109 : i32 to index
      %parallel_loop3A_113 = tpu.vector_load %arg9[%parallel_loop3A_111, %parallel_loop3A_112] {strides = array<i32>} : memref<2x10112xi32, #tpu.memory_space<vmem>>, vector<16xi32>,
      %parallel_loop3A_114 = arith.constant 16 : i32
      %parallel_loop3A_115 = arith.muli %parallel_loop3A_106, %parallel_loop3A_114 : i32
      %parallel_loop3A_116 = arith.addi %mul3A_8, %parallel_loop3A_115 : i32
      %parallel_loop3A_117 = arith.constant 1 : i32
      %parallel_loop3A_118 = arith.index_cast %parallel_loop3A_117 : i32 to index
      %parallel_loop3A_119 = arith.index_cast %parallel_loop3A_116 : i32 to index
      %parallel_loop3A_120 = tpu.vector_load %arg9[%parallel_loop3A_118, %parallel_loop3A_119] {strides = array<i32>} : memref<2x10112xi32, #tpu.memory_space<vmem>>, vector<16xi32>,
      %parallel_loop3A_121 = tpu.vector_load_idx %arg10[%parallel_loop3A_113] : memref<10240xf32, #tpu.memory_space<vmem>>[vector<16xi32>], vector<16xf32>,
      %parallel_loop3A_122 = arith.constant 7 : i32
      %parallel_loop3A_123 = vector.broadcast %parallel_loop3A_122 : i32 to vector<16xi32>
      %parallel_loop3A_124 = arith.shrui %parallel_loop3A_120, %parallel_loop3A_123 : vector<16xi32>
      %parallel_loop3A_125 = arith.constant 127 : i32
      %parallel_loop3A_126 = vector.broadcast %parallel_loop3A_125 : i32 to vector<16xi32>
      %parallel_loop3A_127 = arith.andi %parallel_loop3A_120, %parallel_loop3A_126 : vector<16xi32>
      tpu.vector_store_idx %arg11[%parallel_loop3A_124, %parallel_loop3A_127], %parallel_loop3A_121 {add = true} : memref<80x128xf32, #tpu.memory_space<vmem>>[vector<16xi32>, vector<16xi32>], vector<16xf32>,
    } {sc.loop_unroll_factor = 8 : i64, sc.parallel_access}
    "tpu.region"() ({
      %run_scoped3A = tpu.sem_alloc : memref<!tpu.dma_semaphore, #tpu.memory_space<semaphore_mem>>
      %dma_start3A = arith.constant 0 : i32
      %dma_start3A_106 = arith.constant 0 : i32
      %dma_start3A_107 = tpu.memref_slice %arg13[%dma_start3A, %dma_start3A_106] : memref<80x128xf32, #tpu.memory_space<vmem_shared>> -> memref<80x128xf32, #tpu.memory_space<vmem_shared>>
      tpu.enqueue_indirect_dma source(%arg11 : memref<80x128xf32, #tpu.memory_space<vmem>>) target(%dma_start3A_107 : memref<80x128xf32, #tpu.memory_space<vmem_shared>>) offsets(%arg12 : memref<80xi32, #tpu.memory_space<vmem>>) semaphore(%run_scoped3A : memref<!tpu.dma_semaphore, #tpu.memory_space<semaphore_mem>>) {add = true}
      %dma_wait3A = arith.constant 0 : i32
      %dma_wait3A_108 = arith.constant 0 : i32
      %dma_wait3A_109 = tpu.memref_slice %arg13[%dma_wait3A, %dma_wait3A_108] : memref<80x128xf32, #tpu.memory_space<vmem_shared>> -> memref<80x128xf32, #tpu.memory_space<vmem_shared>>
      tpu.wait_indirect_dma semaphore(%run_scoped3A : memref<!tpu.dma_semaphore, #tpu.memory_space<semaphore_mem>>) src(%arg11 : memref<80x128xf32, #tpu.memory_space<vmem>>) dst(%dma_wait3A_109 : memref<80x128xf32, #tpu.memory_space<vmem_shared>>)
      tpu.yield
    }) : () -> ()
    %barrier3A_48 = arith.constant 0 : index
    tpu.barrier barrier_id(%barrier3A_48)
    %mul3A_49 = arith.constant 640 : i32
    %mul3A_50 = arith.muli %arg1, %mul3A_49 : i32
    %min3A_51 = arith.constant 9360 : i32
    %min3A_52 = arith.minsi %mul3A_50, %min3A_51 : i32
    %sub3A_53 = arith.subi %mul3A_50, %min3A_52 : i32
    %mul3A_54 = arith.constant 5 : i32
    %mul3A_55 = arith.muli %arg1, %mul3A_54 : i32
    "tpu.region"() ({
      %run_scoped3A = tpu.sem_alloc : memref<!tpu.dma_semaphore, #tpu.memory_space<semaphore_mem>>
      %dma_start3A = arith.constant 0 : i32
      %dma_start3A_106 = tpu.memref_slice %arg13[%mul3A_55, %dma_start3A] : memref<80x128xf32, #tpu.memory_space<vmem_shared>> -> memref<5x128xf32, #tpu.memory_space<vmem_shared>>
      %dma_start3A_107 = arith.constant 0 : i32
      %dma_start3A_108 = tpu.memref_slice %arg13[%mul3A_55, %dma_start3A_107] : memref<80x128xf32, #tpu.memory_space<vmem_shared>> -> memref<5x128xf32, #tpu.memory_space<vmem_shared>>
      tpu.enqueue_dma source(%dma_start3A_108 : memref<5x128xf32, #tpu.memory_space<vmem_shared>>) target(%arg14 : memref<5x128xf32, #tpu.memory_space<vmem>>) target_semaphore(%run_scoped3A : memref<!tpu.dma_semaphore, #tpu.memory_space<semaphore_mem>>)
      %dma_wait3A = arith.constant 0 : i32
      %dma_wait3A_109 = tpu.memref_slice %arg13[%mul3A_55, %dma_wait3A] : memref<80x128xf32, #tpu.memory_space<vmem_shared>> -> memref<5x128xf32, #tpu.memory_space<vmem_shared>>
      %dma_wait3A_110 = arith.constant 0 : i32
      %dma_wait3A_111 = tpu.memref_slice %arg13[%mul3A_55, %dma_wait3A_110] : memref<80x128xf32, #tpu.memory_space<vmem_shared>> -> memref<5x128xf32, #tpu.memory_space<vmem_shared>>
      tpu.wait_dma2 semaphore(%run_scoped3A : memref<!tpu.dma_semaphore, #tpu.memory_space<semaphore_mem>>) src(%dma_wait3A_111 : memref<5x128xf32, #tpu.memory_space<vmem_shared>>) dst(%arg14 : memref<5x128xf32, #tpu.memory_space<vmem>>)
      tpu.yield
    }) : () -> ()
    "tpu.region"() ({
      %run_scoped3A = tpu.sem_alloc : memref<!tpu.dma_semaphore, #tpu.memory_space<semaphore_mem>>
      %dma_start3A = tpu.memref_slice %arg4[%mul3A_50] : memref<10240xf32, #tpu.memory_space<hbm>> -> memref<640xf32, #tpu.memory_space<hbm>>
      %dma_start3A_106 = tpu.memref_slice %arg4[%mul3A_50] : memref<10240xf32, #tpu.memory_space<hbm>> -> memref<640xf32, #tpu.memory_space<hbm>>
      tpu.enqueue_dma source(%dma_start3A_106 : memref<640xf32, #tpu.memory_space<hbm>>) target(%arg15 : memref<640xf32, #tpu.memory_space<vmem>>) target_semaphore(%run_scoped3A : memref<!tpu.dma_semaphore, #tpu.memory_space<semaphore_mem>>)
      %dma_wait3A = tpu.memref_slice %arg4[%mul3A_50] : memref<10240xf32, #tpu.memory_space<hbm>> -> memref<640xf32, #tpu.memory_space<hbm>>
      %dma_wait3A_107 = tpu.memref_slice %arg4[%mul3A_50] : memref<10240xf32, #tpu.memory_space<hbm>> -> memref<640xf32, #tpu.memory_space<hbm>>
      tpu.wait_dma2 semaphore(%run_scoped3A : memref<!tpu.dma_semaphore, #tpu.memory_space<semaphore_mem>>) src(%dma_wait3A_107 : memref<640xf32, #tpu.memory_space<hbm>>) dst(%arg15 : memref<640xf32, #tpu.memory_space<vmem>>)
      tpu.yield
    }) : () -> ()
    "tpu.region"() ({
      %run_scoped3A = tpu.sem_alloc : memref<!tpu.dma_semaphore, #tpu.memory_space<semaphore_mem>>
      %dma_start3A = tpu.memref_slice %arg5[%mul3A_50] : memref<10240xf32, #tpu.memory_space<hbm>> -> memref<640xf32, #tpu.memory_space<hbm>>
      %dma_start3A_106 = tpu.memref_slice %arg5[%mul3A_50] : memref<10240xf32, #tpu.memory_space<hbm>> -> memref<640xf32, #tpu.memory_space<hbm>>
      tpu.enqueue_dma source(%dma_start3A_106 : memref<640xf32, #tpu.memory_space<hbm>>) target(%arg16 : memref<640xf32, #tpu.memory_space<vmem>>) target_semaphore(%run_scoped3A : memref<!tpu.dma_semaphore, #tpu.memory_space<semaphore_mem>>)
      %dma_wait3A = tpu.memref_slice %arg5[%mul3A_50] : memref<10240xf32, #tpu.memory_space<hbm>> -> memref<640xf32, #tpu.memory_space<hbm>>
      %dma_wait3A_107 = tpu.memref_slice %arg5[%mul3A_50] : memref<10240xf32, #tpu.memory_space<hbm>> -> memref<640xf32, #tpu.memory_space<hbm>>
      tpu.wait_dma2 semaphore(%run_scoped3A : memref<!tpu.dma_semaphore, #tpu.memory_space<semaphore_mem>>) src(%dma_wait3A_107 : memref<640xf32, #tpu.memory_space<hbm>>) dst(%arg16 : memref<640xf32, #tpu.memory_space<vmem>>)
      tpu.yield
    }) : () -> ()
    "tpu.region"() ({
      %run_scoped3A = tpu.sem_alloc : memref<!tpu.dma_semaphore, #tpu.memory_space<semaphore_mem>>
      %dma_start3A = tpu.memref_slice %arg6[%min3A_52] : memref<10000xi32, #tpu.memory_space<hbm>> -> memref<640xi32, #tpu.memory_space<hbm>>
      %dma_start3A_106 = tpu.memref_slice %arg6[%min3A_52] : memref<10000xi32, #tpu.memory_space<hbm>> -> memref<640xi32, #tpu.memory_space<hbm>>
      tpu.enqueue_dma source(%dma_start3A_106 : memref<640xi32, #tpu.memory_space<hbm>>) target(%arg17 : memref<640xi32, #tpu.memory_space<vmem>>) target_semaphore(%run_scoped3A : memref<!tpu.dma_semaphore, #tpu.memory_space<semaphore_mem>>)
      %dma_wait3A = tpu.memref_slice %arg6[%min3A_52] : memref<10000xi32, #tpu.memory_space<hbm>> -> memref<640xi32, #tpu.memory_space<hbm>>
      %dma_wait3A_107 = tpu.memref_slice %arg6[%min3A_52] : memref<10000xi32, #tpu.memory_space<hbm>> -> memref<640xi32, #tpu.memory_space<hbm>>
      tpu.wait_dma2 semaphore(%run_scoped3A : memref<!tpu.dma_semaphore, #tpu.memory_space<semaphore_mem>>) src(%dma_wait3A_107 : memref<640xi32, #tpu.memory_space<hbm>>) dst(%arg17 : memref<640xi32, #tpu.memory_space<vmem>>)
      tpu.yield
    }) : () -> ()
    %iota3A_56 = tpu.iota {dimensions = array<i32: 0>} : vector<16xi32>
    %broadcast_in_dim3A_57 = arith.constant 0.000000e+00 : f32
    %broadcast_in_dim3A_58 = vector.broadcast %broadcast_in_dim3A_57 : f32 to vector<16xf32>
    %swap3A_59 = arith.constant 0 : index
    %swap3A_60 = tpu.vector_load %arg18[%swap3A_59] {strides = array<i32>} : memref<128xf32, #tpu.memory_space<vmem>>, vector<16xf32>,
    tpu.vector_store %arg18[%swap3A_59], %broadcast_in_dim3A_58 {strides = array<i32>} : memref<128xf32, #tpu.memory_space<vmem>>, vector<16xf32>,
    %swap3A_61 = arith.constant 0 : index
    %swap3A_62 = tpu.vector_load %arg19[%swap3A_61] {strides = array<i32>} : memref<128xf32, #tpu.memory_space<vmem>>, vector<16xf32>,
    tpu.vector_store %arg19[%swap3A_61], %broadcast_in_dim3A_58 {strides = array<i32>} : memref<128xf32, #tpu.memory_space<vmem>>, vector<16xf32>,
    %swap3A_63 = arith.constant 16 : index
    %swap3A_64 = tpu.vector_load %arg18[%swap3A_63] {strides = array<i32>} : memref<128xf32, #tpu.memory_space<vmem>>, vector<16xf32>,
    tpu.vector_store %arg18[%swap3A_63], %broadcast_in_dim3A_58 {strides = array<i32>} : memref<128xf32, #tpu.memory_space<vmem>>, vector<16xf32>,
    %swap3A_65 = arith.constant 16 : index
    %swap3A_66 = tpu.vector_load %arg19[%swap3A_65] {strides = array<i32>} : memref<128xf32, #tpu.memory_space<vmem>>, vector<16xf32>,
    tpu.vector_store %arg19[%swap3A_65], %broadcast_in_dim3A_58 {strides = array<i32>} : memref<128xf32, #tpu.memory_space<vmem>>, vector<16xf32>,
    %swap3A_67 = arith.constant 32 : index
    %swap3A_68 = tpu.vector_load %arg18[%swap3A_67] {strides = array<i32>} : memref<128xf32, #tpu.memory_space<vmem>>, vector<16xf32>,
    tpu.vector_store %arg18[%swap3A_67], %broadcast_in_dim3A_58 {strides = array<i32>} : memref<128xf32, #tpu.memory_space<vmem>>, vector<16xf32>,
    %swap3A_69 = arith.constant 32 : index
    %swap3A_70 = tpu.vector_load %arg19[%swap3A_69] {strides = array<i32>} : memref<128xf32, #tpu.memory_space<vmem>>, vector<16xf32>,
    tpu.vector_store %arg19[%swap3A_69], %broadcast_in_dim3A_58 {strides = array<i32>} : memref<128xf32, #tpu.memory_space<vmem>>, vector<16xf32>,
    %swap3A_71 = arith.constant 48 : index
    %swap3A_72 = tpu.vector_load %arg18[%swap3A_71] {strides = array<i32>} : memref<128xf32, #tpu.memory_space<vmem>>, vector<16xf32>,
    tpu.vector_store %arg18[%swap3A_71], %broadcast_in_dim3A_58 {strides = array<i32>} : memref<128xf32, #tpu.memory_space<vmem>>, vector<16xf32>,
    %swap3A_73 = arith.constant 48 : index
    %swap3A_74 = tpu.vector_load %arg19[%swap3A_73] {strides = array<i32>} : memref<128xf32, #tpu.memory_space<vmem>>, vector<16xf32>,
    tpu.vector_store %arg19[%swap3A_73], %broadcast_in_dim3A_58 {strides = array<i32>} : memref<128xf32, #tpu.memory_space<vmem>>, vector<16xf32>,
    %swap3A_75 = arith.constant 64 : index
    %swap3A_76 = tpu.vector_load %arg18[%swap3A_75] {strides = array<i32>} : memref<128xf32, #tpu.memory_space<vmem>>, vector<16xf32>,
    tpu.vector_store %arg18[%swap3A_75], %broadcast_in_dim3A_58 {strides = array<i32>} : memref<128xf32, #tpu.memory_space<vmem>>, vector<16xf32>,
    %swap3A_77 = arith.constant 64 : index
    %swap3A_78 = tpu.vector_load %arg19[%swap3A_77] {strides = array<i32>} : memref<128xf32, #tpu.memory_space<vmem>>, vector<16xf32>,
    tpu.vector_store %arg19[%swap3A_77], %broadcast_in_dim3A_58 {strides = array<i32>} : memref<128xf32, #tpu.memory_space<vmem>>, vector<16xf32>,
    %swap3A_79 = arith.constant 80 : index
    %swap3A_80 = tpu.vector_load %arg18[%swap3A_79] {strides = array<i32>} : memref<128xf32, #tpu.memory_space<vmem>>, vector<16xf32>,
    tpu.vector_store %arg18[%swap3A_79], %broadcast_in_dim3A_58 {strides = array<i32>} : memref<128xf32, #tpu.memory_space<vmem>>, vector<16xf32>,
    %swap3A_81 = arith.constant 80 : index
    %swap3A_82 = tpu.vector_load %arg19[%swap3A_81] {strides = array<i32>} : memref<128xf32, #tpu.memory_space<vmem>>, vector<16xf32>,
    tpu.vector_store %arg19[%swap3A_81], %broadcast_in_dim3A_58 {strides = array<i32>} : memref<128xf32, #tpu.memory_space<vmem>>, vector<16xf32>,
    %swap3A_83 = arith.constant 96 : index
    %swap3A_84 = tpu.vector_load %arg18[%swap3A_83] {strides = array<i32>} : memref<128xf32, #tpu.memory_space<vmem>>, vector<16xf32>,
    tpu.vector_store %arg18[%swap3A_83], %broadcast_in_dim3A_58 {strides = array<i32>} : memref<128xf32, #tpu.memory_space<vmem>>, vector<16xf32>,
    %swap3A_85 = arith.constant 96 : index
    %swap3A_86 = tpu.vector_load %arg19[%swap3A_85] {strides = array<i32>} : memref<128xf32, #tpu.memory_space<vmem>>, vector<16xf32>,
    tpu.vector_store %arg19[%swap3A_85], %broadcast_in_dim3A_58 {strides = array<i32>} : memref<128xf32, #tpu.memory_space<vmem>>, vector<16xf32>,
    %swap3A_87 = arith.constant 112 : index
    %swap3A_88 = tpu.vector_load %arg18[%swap3A_87] {strides = array<i32>} : memref<128xf32, #tpu.memory_space<vmem>>, vector<16xf32>,
    tpu.vector_store %arg18[%swap3A_87], %broadcast_in_dim3A_58 {strides = array<i32>} : memref<128xf32, #tpu.memory_space<vmem>>, vector<16xf32>,
    %swap3A_89 = arith.constant 112 : index
    %swap3A_90 = tpu.vector_load %arg19[%swap3A_89] {strides = array<i32>} : memref<128xf32, #tpu.memory_space<vmem>>, vector<16xf32>,
    tpu.vector_store %arg19[%swap3A_89], %broadcast_in_dim3A_58 {strides = array<i32>} : memref<128xf32, #tpu.memory_space<vmem>>, vector<16xf32>,
    %eq3A_91 = arith.constant 0 : i32
    %eq3A_92 = arith.cmpi eq, %arg0, %eq3A_91 : i32
    %jit3A_93 = arith.constant 1.000000e+00 : f32
    %jit3A_94 = arith.constant 0.000000e+00 : f32
    %select_n3A_95 = arith.select %eq3A_92, %jit3A_93, %jit3A_94 : f32
    %broadcast_in_dim3A_96 = arith.constant 1.000000e+00 : f32
    %broadcast_in_dim3A_97 = vector.broadcast %broadcast_in_dim3A_96 : f32 to vector<16xf32>
    %mul3A_98 = vector.broadcast %select_n3A_95 : f32 to vector<16xf32>
    %mul3A_99 = arith.mulf %broadcast_in_dim3A_97, %mul3A_98 : vector<16xf32>
    %scan3A_100 = arith.constant 0 : i32
    %scan3A_101 = arith.constant 0 : i32
    %scan3A_102 = arith.constant 40 : i32
    %scan3A_103 = arith.addi %scan3A_101, %scan3A_102 : i32
    %scan3A_104 = arith.constant 1 : i32
    scf.for %scan3A_106 = %scan3A_101 to %scan3A_103 step %scan3A_104  : i32 {
      %and3A = arith.constant 7 : i32
      %and3A_107 = arith.andi %scan3A_106, %and3A : i32
      %mul3A_108 = arith.constant 16 : i32
      %mul3A_109 = arith.muli %and3A_107, %mul3A_108 : i32
      %shift_right_logical3A = arith.constant 3 : i32
      %shift_right_logical3A_110 = arith.shrui %scan3A_106, %shift_right_logical3A : i32
      %mul3A_111 = arith.constant 16 : i32
      %mul3A_112 = arith.muli %scan3A_106, %mul3A_111 : i32
      %add3A_113 = arith.addi %mul3A_50, %mul3A_112 : i32
      %add3A_114 = vector.broadcast %add3A_113 : i32 to vector<16xi32>
      %add3A_115 = arith.addi %add3A_114, %iota3A_56 : vector<16xi32>
      %lt3A_116 = arith.constant 10000 : i32
      %lt3A_117 = vector.broadcast %lt3A_116 : i32 to vector<16xi32>
      %lt3A_118 = arith.cmpi slt, %add3A_115, %lt3A_117 : vector<16xi32>
      %mul3A_119 = arith.constant 16 : i32
      %mul3A_120 = arith.muli %scan3A_106, %mul3A_119 : i32
      %get3A = arith.index_cast %mul3A_120 : i32 to index
      %get3A_121 = tpu.vector_load %arg15[%get3A] {strides = array<i32>} : memref<640xf32, #tpu.memory_space<vmem>>, vector<16xf32>,
      %get3A_122 = arith.index_cast %shift_right_logical3A_110 : i32 to index
      %get3A_123 = arith.index_cast %mul3A_109 : i32 to index
      %get3A_124 = tpu.vector_load %arg14[%get3A_122, %get3A_123] {strides = array<i32>} : memref<5x128xf32, #tpu.memory_space<vmem>>, vector<16xf32>,
      %mul3A_125 = arith.mulf %get3A_121, %get3A_124 : vector<16xf32>
      %mul3A_126 = arith.constant 16 : i32
      %mul3A_127 = arith.muli %scan3A_106, %mul3A_126 : i32
      %get3A_128 = arith.index_cast %mul3A_127 : i32 to index
      %get3A_129 = tpu.vector_load %arg16[%get3A_128] {strides = array<i32>} : memref<640xf32, #tpu.memory_space<vmem>>, vector<16xf32>,
      %mul3A_130 = vector.broadcast %select_n3A_95 : f32 to vector<16xf32>
      %mul3A_131 = arith.mulf %get3A_129, %mul3A_130 : vector<16xf32>
      %add3A_132 = arith.addf %mul3A_125, %mul3A_131 : vector<16xf32>
      %mul3A_133 = arith.constant 16 : i32
      %mul3A_134 = arith.muli %scan3A_106, %mul3A_133 : i32
      %add3A_135 = arith.addi %sub3A_53, %mul3A_134 : i32
      %get3A_136 = arith.index_cast %add3A_135 : i32 to index
      %get3A_137 = tpu.vector_load %arg17[%get3A_136] {strides = array<i32>} : memref<640xi32, #tpu.memory_space<vmem>>, vector<16xi32>,
      tpu.vector_store_idx %arg18[%get3A_137], %add3A_132 masked %lt3A_118 {add = true} : memref<128xf32, #tpu.memory_space<vmem>>[vector<16xi32>], vector<16xf32>, vector<16xi1>
      tpu.vector_store_idx %arg19[%get3A_137], %mul3A_99 masked %lt3A_118 {add = true} : memref<128xf32, #tpu.memory_space<vmem>>[vector<16xi32>], vector<16xf32>, vector<16xi1>
    }
    %scan3A_105 = arith.constant 40 : i32
    "tpu.region"() ({
      %run_scoped3A = tpu.sem_alloc : memref<!tpu.dma_semaphore, #tpu.memory_space<semaphore_mem>>
      %dma_start3A = arith.constant 0 : i32
      %dma_start3A_106 = tpu.memref_slice %arg7[%add3A, %dma_start3A] : memref<32x128xf32, #tpu.memory_space<hbm>> -> memref<1x128xf32, #tpu.memory_space<hbm>>
      %dma_start3A_107 = tpu.memref_squeeze %dma_start3A_106 : memref<1x128xf32, #tpu.memory_space<hbm>> -> memref<128xf32, #tpu.memory_space<hbm>>
      %dma_start3A_108 = arith.constant 0 : i32
      %dma_start3A_109 = tpu.memref_slice %arg7[%add3A, %dma_start3A_108] : memref<32x128xf32, #tpu.memory_space<hbm>> -> memref<1x128xf32, #tpu.memory_space<hbm>>
      %dma_start3A_110 = tpu.memref_squeeze %dma_start3A_109 : memref<1x128xf32, #tpu.memory_space<hbm>> -> memref<128xf32, #tpu.memory_space<hbm>>
      tpu.enqueue_dma source(%arg18 : memref<128xf32, #tpu.memory_space<vmem>>) target(%dma_start3A_110 : memref<128xf32, #tpu.memory_space<hbm>>) target_semaphore(%run_scoped3A : memref<!tpu.dma_semaphore, #tpu.memory_space<semaphore_mem>>)
      %dma_wait3A = arith.constant 0 : i32
      %dma_wait3A_111 = tpu.memref_slice %arg7[%add3A, %dma_wait3A] : memref<32x128xf32, #tpu.memory_space<hbm>> -> memref<1x128xf32, #tpu.memory_space<hbm>>
      %dma_wait3A_112 = tpu.memref_squeeze %dma_wait3A_111 : memref<1x128xf32, #tpu.memory_space<hbm>> -> memref<128xf32, #tpu.memory_space<hbm>>
      %dma_wait3A_113 = arith.constant 0 : i32
      %dma_wait3A_114 = tpu.memref_slice %arg7[%add3A, %dma_wait3A_113] : memref<32x128xf32, #tpu.memory_space<hbm>> -> memref<1x128xf32, #tpu.memory_space<hbm>>
      %dma_wait3A_115 = tpu.memref_squeeze %dma_wait3A_114 : memref<1x128xf32, #tpu.memory_space<hbm>> -> memref<128xf32, #tpu.memory_space<hbm>>
      tpu.wait_dma2 semaphore(%run_scoped3A : memref<!tpu.dma_semaphore, #tpu.memory_space<semaphore_mem>>) src(%arg18 : memref<128xf32, #tpu.memory_space<vmem>>) dst(%dma_wait3A_115 : memref<128xf32, #tpu.memory_space<hbm>>)
      tpu.yield
    }) : () -> ()
    "tpu.region"() ({
      %run_scoped3A = tpu.sem_alloc : memref<!tpu.dma_semaphore, #tpu.memory_space<semaphore_mem>>
      %dma_start3A = arith.constant 0 : i32
      %dma_start3A_106 = tpu.memref_slice %arg8[%add3A, %dma_start3A] : memref<32x128xf32, #tpu.memory_space<hbm>> -> memref<1x128xf32, #tpu.memory_space<hbm>>
      %dma_start3A_107 = tpu.memref_squeeze %dma_start3A_106 : memref<1x128xf32, #tpu.memory_space<hbm>> -> memref<128xf32, #tpu.memory_space<hbm>>
      %dma_start3A_108 = arith.constant 0 : i32
      %dma_start3A_109 = tpu.memref_slice %arg8[%add3A, %dma_start3A_108] : memref<32x128xf32, #tpu.memory_space<hbm>> -> memref<1x128xf32, #tpu.memory_space<hbm>>
      %dma_start3A_110 = tpu.memref_squeeze %dma_start3A_109 : memref<1x128xf32, #tpu.memory_space<hbm>> -> memref<128xf32, #tpu.memory_space<hbm>>
      tpu.enqueue_dma source(%arg19 : memref<128xf32, #tpu.memory_space<vmem>>) target(%dma_start3A_110 : memref<128xf32, #tpu.memory_space<hbm>>) target_semaphore(%run_scoped3A : memref<!tpu.dma_semaphore, #tpu.memory_space<semaphore_mem>>)
      %dma_wait3A = arith.constant 0 : i32
      %dma_wait3A_111 = tpu.memref_slice %arg8[%add3A, %dma_wait3A] : memref<32x128xf32, #tpu.memory_space<hbm>> -> memref<1x128xf32, #tpu.memory_space<hbm>>
      %dma_wait3A_112 = tpu.memref_squeeze %dma_wait3A_111 : memref<1x128xf32, #tpu.memory_space<hbm>> -> memref<128xf32, #tpu.memory_space<hbm>>
      %dma_wait3A_113 = arith.constant 0 : i32
      %dma_wait3A_114 = tpu.memref_slice %arg8[%add3A, %dma_wait3A_113] : memref<32x128xf32, #tpu.memory_space<hbm>> -> memref<1x128xf32, #tpu.memory_space<hbm>>
      %dma_wait3A_115 = tpu.memref_squeeze %dma_wait3A_114 : memref<1x128xf32, #tpu.memory_space<hbm>> -> memref<128xf32, #tpu.memory_space<hbm>>
      tpu.wait_dma2 semaphore(%run_scoped3A : memref<!tpu.dma_semaphore, #tpu.memory_space<semaphore_mem>>) src(%arg19 : memref<128xf32, #tpu.memory_space<vmem>>) dst(%dma_wait3A_115 : memref<128xf32, #tpu.memory_space<hbm>>)
      tpu.yield
    }) : () -> ()
    return
  }
}

module attributes {stable_mosaic.version = 14 : i64} {
  func.func @_finish_body(%arg0: memref<32x128xf32, #tpu.memory_space<vmem>>, %arg1: memref<32x128xf32, #tpu.memory_space<vmem>>, %arg2: memref<1x128xf32, #tpu.memory_space<vmem>>, %arg3: memref<128x1xf32, #tpu.memory_space<vmem>>, %arg4: memref<1x1xf32, #tpu.memory_space<vmem>>, %arg5: memref<64x1xf32, #tpu.memory_space<vmem>>) attributes {dimension_semantics = [], scalar_prefetch = 0 : i64, scratch_operands = 0 : i64, tpu.core_type = #tpu.core_type<tc>} {
    %get3A = arith.constant 0 : index
    %get3A_0 = arith.constant 0 : index
    %get3A_1 = vector.load %arg0[%get3A, %get3A_0] : memref<32x128xf32, #tpu.memory_space<vmem>>, vector<32x128xf32>
    %reduce_sum3A = arith.constant dense<0.000000e+00> : vector<128xf32>
    %reduce_sum3A_2 = vector.multi_reduction <add>, %get3A_1, %reduce_sum3A [0] : vector<32x128xf32> to vector<128xf32>
    %broadcast_in_dim3A = vector.shape_cast %reduce_sum3A_2 : vector<128xf32> to vector<1x128xf32>
    %slice3A = vector.extract_strided_slice %broadcast_in_dim3A {offsets = [0, 0], sizes = [1, 64], strides = [1, 1]} : vector<1x128xf32> to vector<1x64xf32>
    %get3A_3 = arith.constant 0 : index
    %get3A_4 = arith.constant 0 : index
    %get3A_5 = vector.load %arg1[%get3A_3, %get3A_4] : memref<32x128xf32, #tpu.memory_space<vmem>>, vector<32x128xf32>
    %reduce_sum3A_6 = arith.constant dense<0.000000e+00> : vector<128xf32>
    %reduce_sum3A_7 = vector.multi_reduction <add>, %get3A_5, %reduce_sum3A_6 [0] : vector<32x128xf32> to vector<128xf32>
    %broadcast_in_dim3A_8 = vector.shape_cast %reduce_sum3A_7 : vector<128xf32> to vector<1x128xf32>
    %slice3A_9 = vector.extract_strided_slice %broadcast_in_dim3A_8 {offsets = [0, 0], sizes = [1, 64], strides = [1, 1]} : vector<1x128xf32> to vector<1x64xf32>
    %get3A_10 = arith.constant 0 : index
    %get3A_11 = arith.constant 0 : index
    %get3A_12 = vector.load %arg2[%get3A_10, %get3A_11] : memref<1x128xf32, #tpu.memory_space<vmem>>, vector<1x128xf32>
    %get3A_13 = arith.constant 0 : index
    %get3A_14 = arith.constant 0 : index
    %get3A_15 = vector.load %arg3[%get3A_13, %get3A_14] : memref<128x1xf32, #tpu.memory_space<vmem>>, vector<128x1xf32>
    %dot_general3A = arith.constant dense<0.000000e+00> : vector<1x1xf32>
    %dot_general3A_16 = tpu.matmul %get3A_12, %get3A_15, %dot_general3A {dimension_numbers = #tpu.dot_dimension_numbers<[1], [0], [0], [1], [0, 0, 1, 1], [], []>, precision = #tpu.contract_precision<fp32>, transpose_lhs_hint = false} : vector<1x128xf32>, vector<128x1xf32>, vector<1x1xf32> -> vector<1x1xf32>
    %mul3A = vector.broadcast %dot_general3A_16 : vector<1x1xf32> to vector<1x64xf32>
    %mul3A_17 = arith.mulf %slice3A_9, %mul3A : vector<1x64xf32>
    %add3A = arith.addf %slice3A, %mul3A_17 : vector<1x64xf32>
    %max3A = arith.constant 1.000000e+00 : f32
    %max3A_18 = vector.broadcast %max3A : f32 to vector<1x64xf32>
    %max3A_19 = arith.maximumf %slice3A_9, %max3A_18 : vector<1x64xf32>
    %div3A = arith.divf %add3A, %max3A_19 : vector<1x64xf32>
    %get3A_20 = arith.constant 0 : index
    %get3A_21 = arith.constant 0 : index
    %get3A_22 = vector.load %arg4[%get3A_20, %get3A_21] : memref<1x1xf32, #tpu.memory_space<vmem>>, vector<1x1xf32>
    %add3A_23 = vector.broadcast %get3A_22 : vector<1x1xf32> to vector<1x64xf32>
    %add3A_24 = arith.addf %div3A, %add3A_23 : vector<1x64xf32>
    %reshape3A = vector.shape_cast %add3A_24 : vector<1x64xf32> to vector<64x1xf32>
    %swap3A = arith.constant 0 : index
    %swap3A_25 = arith.constant 0 : index
    %swap3A_26 = vector.load %arg5[%swap3A, %swap3A_25] : memref<64x1xf32, #tpu.memory_space<vmem>>, vector<64x1xf32>
    tpu.vector_store %arg5[%swap3A, %swap3A_25], %reshape3A {strides = array<i32>} : memref<64x1xf32, #tpu.memory_space<vmem>>, vector<64x1xf32>,
    return
  }
}

module attributes {stable_mosaic.version = 14 : i64} {
  func.func @_prep_z_body(%arg0: memref<10000x128xf32, #tpu.memory_space<vmem>>, %arg1: memref<128x128xf32, #tpu.memory_space<vmem>>, %arg2: memref<128x1xf32, #tpu.memory_space<vmem>>, %arg3: memref<80x128xf32, #tpu.memory_space<vmem>>) attributes {dimension_semantics = [], scalar_prefetch = 0 : i64, scratch_operands = 0 : i64, tpu.core_type = #tpu.core_type<tc>} {
    %get3A = arith.constant 0 : index
    %get3A_0 = arith.constant 0 : index
    %get3A_1 = vector.load %arg1[%get3A, %get3A_0] : memref<128x128xf32, #tpu.memory_space<vmem>>, vector<128x128xf32>
    %get3A_2 = arith.constant 0 : index
    %get3A_3 = arith.constant 0 : index
    %get3A_4 = vector.load %arg2[%get3A_2, %get3A_3] : memref<128x1xf32, #tpu.memory_space<vmem>>, vector<128x1xf32>
    %dot_general3A = arith.constant dense<0.000000e+00> : vector<128x1xf32>
    %dot_general3A_5 = tpu.matmul %get3A_1, %get3A_4, %dot_general3A {dimension_numbers = #tpu.dot_dimension_numbers<[1], [0], [0], [1], [0, 0, 1, 1], [], []>, precision = #tpu.contract_precision<fp32>, transpose_lhs_hint = false} : vector<128x128xf32>, vector<128x1xf32>, vector<128x1xf32> -> vector<128x1xf32>
    %get3A_6 = arith.constant 0 : index
    %get3A_7 = arith.constant 0 : index
    %get3A_8 = vector.load %arg0[%get3A_6, %get3A_7] : memref<10000x128xf32, #tpu.memory_space<vmem>>, vector<10000x128xf32>
    %dot_general3A_9 = arith.constant dense<0.000000e+00> : vector<1x10000xf32>
    %dot_general3A_10 = tpu.matmul %dot_general3A_5, %get3A_8, %dot_general3A_9 {dimension_numbers = #tpu.dot_dimension_numbers<[0], [1], [1], [0], [0, 1, 1, 0], [], []>, precision = #tpu.contract_precision<fp32>, transpose_lhs_hint = false} : vector<128x1xf32>, vector<10000x128xf32>, vector<1x10000xf32> -> vector<1x10000xf32>
    %broadcast_in_dim3A = arith.constant 0.000000e+00 : f32
    %broadcast_in_dim3A_11 = vector.broadcast %broadcast_in_dim3A : f32 to vector<1x240xf32>
    %concatenate3A = tpu.concatenate %dot_general3A_10, %broadcast_in_dim3A_11 in 1 : vector<1x10000xf32>, vector<1x240xf32> -> vector<1x10240xf32>
    %reshape3A = vector.shape_cast %concatenate3A : vector<1x10240xf32> to vector<80x128xf32>
    %swap3A = arith.constant 0 : index
    %swap3A_12 = arith.constant 0 : index
    %swap3A_13 = vector.load %arg3[%swap3A, %swap3A_12] : memref<80x128xf32, #tpu.memory_space<vmem>>, vector<80x128xf32>
    tpu.vector_store %arg3[%swap3A, %swap3A_12], %reshape3A {strides = array<i32>} : memref<80x128xf32, #tpu.memory_space<vmem>>, vector<80x128xf32>,
    return
  }
}

module attributes {stable_mosaic.version = 14 : i64} {
  func.func @_prep_c_body(%arg0: memref<80x128xf32, #tpu.memory_space<vmem>>, %arg1: memref<2x80x128xf32, #tpu.memory_space<vmem>>, %arg2: memref<80x128xf32, #tpu.memory_space<vmem>>, %arg3: memref<80x128xf32, #tpu.memory_space<vmem>>, %arg4: memref<80x128xf32, #tpu.memory_space<vmem>>) attributes {dimension_semantics = [], scalar_prefetch = 0 : i64, scratch_operands = 0 : i64, tpu.core_type = #tpu.core_type<tc>} {
    %get3A = arith.constant 0 : index
    %get3A_0 = arith.constant 0 : index
    %get3A_1 = vector.load %arg0[%get3A, %get3A_0] : memref<80x128xf32, #tpu.memory_space<vmem>>, vector<80x128xf32>
    %get3A_2 = arith.constant 0 : index
    %get3A_3 = arith.constant 0 : index
    %get3A_4 = arith.constant 0 : index
    %get3A_5 = vector.load %arg1[%get3A_2, %get3A_3, %get3A_4] : memref<2x80x128xf32, #tpu.memory_space<vmem>>, vector<1x80x128xf32>
    %get3A_6 = vector.shape_cast %get3A_5 : vector<1x80x128xf32> to vector<80x128xf32>
    %add3A = arith.constant 1.000000e+00 : f32
    %add3A_7 = vector.broadcast %add3A : f32 to vector<80x128xf32>
    %add3A_8 = arith.addf %add3A_7, %get3A_6 : vector<80x128xf32>
    %get3A_9 = arith.constant 1 : index
    %get3A_10 = arith.constant 0 : index
    %get3A_11 = arith.constant 0 : index
    %get3A_12 = vector.load %arg1[%get3A_9, %get3A_10, %get3A_11] : memref<2x80x128xf32, #tpu.memory_space<vmem>>, vector<1x80x128xf32>
    %get3A_13 = vector.shape_cast %get3A_12 : vector<1x80x128xf32> to vector<80x128xf32>
    %add3A_14 = arith.addf %add3A_8, %get3A_13 : vector<80x128xf32>
    %sqrt3A = math.sqrt %add3A_14 : vector<80x128xf32>
    %div3A = arith.constant 1.000000e+00 : f32
    %div3A_15 = vector.broadcast %div3A : f32 to vector<80x128xf32>
    %div3A_16 = arith.divf %div3A_15, %sqrt3A : vector<80x128xf32>
    %mul3A = arith.mulf %get3A_1, %div3A_16 : vector<80x128xf32>
    %swap3A = arith.constant 0 : index
    %swap3A_17 = arith.constant 0 : index
    %swap3A_18 = vector.load %arg2[%swap3A, %swap3A_17] : memref<80x128xf32, #tpu.memory_space<vmem>>, vector<80x128xf32>
    tpu.vector_store %arg2[%swap3A, %swap3A_17], %mul3A {strides = array<i32>} : memref<80x128xf32, #tpu.memory_space<vmem>>, vector<80x128xf32>,
    %swap3A_19 = arith.constant 0 : index
    %swap3A_20 = arith.constant 0 : index
    %swap3A_21 = vector.load %arg3[%swap3A_19, %swap3A_20] : memref<80x128xf32, #tpu.memory_space<vmem>>, vector<80x128xf32>
    tpu.vector_store %arg3[%swap3A_19, %swap3A_20], %div3A_16 {strides = array<i32>} : memref<80x128xf32, #tpu.memory_space<vmem>>, vector<80x128xf32>,
    %div3A_22 = arith.divf %get3A_1, %add3A_14 : vector<80x128xf32>
    %swap3A_23 = arith.constant 0 : index
    %swap3A_24 = arith.constant 0 : index
    %swap3A_25 = vector.load %arg4[%swap3A_23, %swap3A_24] : memref<80x128xf32, #tpu.memory_space<vmem>>, vector<80x128xf32>
    tpu.vector_store %arg4[%swap3A_23, %swap3A_24], %div3A_22 {strides = array<i32>} : memref<80x128xf32, #tpu.memory_space<vmem>>, vector<80x128xf32>,
    return
  }
}

</mosaic_0001>

<sc_bundles>
// kernel: kernel.10.cloned.1.call-start
scs
__scs_entry_jumppad:
0x0: {  	(pc) =	sbr.rel $0x88, $3  }
0x1: {  	(tag) =	ssettag $0x0;
	lr =	simm.s32 $0x1  }
0x2: {  	[smem:$0x3F9A] =	sst lr;
	_ =	strace $0xD0000000  }
0x3: {  	_ = 	snop  }
0x4: {  	_ = 	snop  }
0x5: {  	_ = 	snop  }
0x6: {  	_ = 	snop  }
0x7: {  	_ = 	snop  }
__scs_overlays_trampoline_lowered:
0x8: {  	[smem:$0x3FA9] =	sst s0  }
0x9: {  	[smem:$0x3FAA] =	sst s1  }
0xa: {  	[smem:$0x3FAB] =	sst s2  }
0xb: {  	[smem:$0x3FAC] =	sst s3  }
0xc: {  	[smem:$0x3FAD] =	sst s4  }
0xd: {  	[smem:$0x3FAE] =	sst s5  }
0xe: {  	[smem:$0x3FAF] =	sst s6  }
0xf: {  	[smem:$0x3FB0] =	sst s7  }
0x10: {  	[smem:$0x3FB1] =	sst s8  }
0x11: {  	[smem:$0x3FB2] =	sst s9;
	s0 =	simm.s32 @!p0 $0x0  }
0x12: {  	s1 =	sld [smem:$0x3F98];
	s0 =	simm.s32 @p0 $0x1  }
0x13: {  	[smem:$0x3FB3] =	sst s0;
	s0 =	simm.s32 @!p1 $0x0  }
0x14: {  	s2 =	sld [smem:$0x3F97];
	s0 =	simm.s32 @p1 $0x1  }
0x15: {  	[smem:$0x3FB4] =	sst s0;
	s0 =	simm.s32 @!p2 $0x0  }
0x16: {  	s3 =	sld [smem:$0x3FDB];
	s0 =	simm.s32 @p2 $0x1  }
0x17: {  	s4 =	simm.s32 $0x1BF5;
	[smem:$0x3FB6] =	sst s0  }
0x18: {  	s0 =	sld [smem:$0x3F99];
	_ =	swait.ge [sflag:s4], $0x0  }
0x19: {  	s7 =	sld [smem:$0x3F9A]  }
0x1a: {  	s8 =	sadd.s32 $0xFFFFE003, lr  }
0x1b: {  	s9 =	sadd.s32 $0xFFFFFEF7, lr;
	s5 =	simm.s32 $0xFFFFFFFF;
	p2 =	slt.u32 s8, $0xFFFFF086  }
0x1c: {  	p1 =	slt.u32 s9, $0xF7A;
	s5 =	simm.s32 @!p2 $0x0  }
0x1d: {  	s5 =	simm.s32 @p1 $0x1;
	p0 =	seq.s32 s7, s2  }
0x1e: {  	s7 =	smul.u32 @!p0 $0xF7A, s2;
	p2 =	seq.s32 @!p0 s5, $0x0  }
0x1f: {  	s9 =	smul.u32 $0xF7A, s1;
	s8 =	simm.s32 @!p0 $0x1BF5;
	p2 =	por !p2, p0  }
0x20: {  	[sflag:s8] =	ssyncset.s32 @!p0 $0xFFFFF086;
	s6 =	sadd.s32 @!p0 s3, s7;
	s7 =	simm.s32 @!p0 $0x108  }
0x21: {  	s3 =	sadd.s32 s3, s9;
	s6 =	sadd.s32 @!p0 $0x88, s6;
	s7 =	simm.s32 @p2 $0x1082  }
0x22: {  	[simem:s7], [sflag:s8] =	dma.local @!p0 [hbm:s6], $0xF7A  }
0x23: {  	s9 =	sor.u32 $0xD0000000, s2;
	s6 =	simm.s32 $0x108;
	_ =	swait.ge @!p0 [sflag:s8], $0x0  }
0x24: {  	s3 =	sadd.s32 $0x88, s3;
	s6 =	simm.s32 @!p1 $0x1082;
	[sflag:s4] =	ssyncset.s32 $0xFFFFF086  }
0x25: {  	[simem:s6], [sflag:s4] =	dma.local [hbm:s3], $0xF7A  }
0x26: {  	[smem:$0x3F9A] =	sst s1;
	(tag) =	ssettag s2;
	_ =	strace s9  }
0x27: {  	s1 =	sld [smem:$0x3FAA]  }
0x28: {  	s2 =	sld [smem:$0x3FAB]  }
0x29: {  	s4 =	sld [smem:$0x3FAD]  }
0x2a: {  	p0 =	seq.s32 s5, $0x0;
	s5 =	sld [smem:$0x3FAE]  }
0x2b: {  	s6 =	sld [smem:$0x3FAF]  }
0x2c: {  	s7 =	sld [smem:$0x3FB0]  }
0x2d: {  	s3 =	simm.s32 $0x108;
	s8 =	sld [smem:$0x3FB1]  }
0x2e: {  	s3 =	simm.s32 @!p0 $0x1082;
	s9 =	sld [smem:$0x3FB2]  }
0x2f: {  	lr =	sadd.s32 s0, s3;
	s0 =	sld [smem:$0x3FA9]  }
0x30: {  	s3 =	sld [smem:$0x3FAC]  }
0x31: {  	[smem:$0x3FB5] =	sst s10  }
0x32: {  	s10 =	sld [smem:$0x3FB3];
	_ =	sdelay $0x3  }
0x33: {  	p0 =	seq.s32 s10, $0x1;
	s10 =	sld [smem:$0x3FB5];
	_ =	sdelay $0x3  }
0x34: {  	[smem:$0x3FB5] =	sst s10  }
0x35: {  	s10 =	sld [smem:$0x3FB4];
	_ =	sdelay $0x3  }
0x36: {  	p1 =	seq.s32 s10, $0x1;
	s10 =	sld [smem:$0x3FB5];
	_ =	sdelay $0x3  }
0x37: {  	[smem:$0x3FB5] =	sst s10  }
0x38: {  	s10 =	sld [smem:$0x3FB6]  }
0x39: {  	_ = 	snop;
	(pc) =	sbr.ind lr, $3  }
0x3a: {  	_ = 	snop  }
0x3b: {  	_ = 	snop  }
0x3c: {  	p2 =	seq.s32 s10, $0x1;
	s10 =	sld [smem:$0x3FB5]  }
0x3d: {  	_ =	shalt  }
0x3e: {  	_ =	shalt  }
0x3f: {  	_ =	shalt  }
0x40: {  	_ =	shalt  }
0x41: {  	_ =	shalt  }
0x42: {  	_ =	shalt  }
0x43: {  	_ =	shalt  }
0x44: {  	_ =	shalt  }
0x45: {  	_ =	shalt  }
0x46: {  	_ =	shalt  }
0x47: {  	_ =	shalt  }
0x48: {  	_ =	shalt  }
0x49: {  	_ =	shalt  }
0x4a: {  	_ =	shalt  }
0x4b: {  	_ =	shalt  }
0x4c: {  	_ =	shalt  }
0x4d: {  	_ =	shalt  }
0x4e: {  	_ =	shalt  }
0x4f: {  	_ =	shalt  }
0x50: {  	_ =	shalt  }
0x51: {  	_ =	shalt  }
0x52: {  	_ =	shalt  }
0x53: {  	_ =	shalt  }
0x54: {  	_ =	shalt  }
0x55: {  	_ =	shalt  }
0x56: {  	_ =	shalt  }
0x57: {  	_ =	shalt  }
0x58: {  	_ =	shalt  }
0x59: {  	_ =	shalt  }
0x5a: {  	_ =	shalt  }
0x5b: {  	_ =	shalt  }
0x5c: {  	_ =	shalt  }
0x5d: {  	_ =	shalt  }
0x5e: {  	_ =	shalt  }
0x5f: {  	_ =	shalt  }
0x60: {  	_ =	shalt  }
0x61: {  	_ =	shalt  }
0x62: {  	_ =	shalt  }
0x63: {  	_ =	shalt  }
0x64: {  	_ =	shalt  }
0x65: {  	_ =	shalt  }
0x66: {  	_ =	shalt  }
0x67: {  	_ =	shalt  }
0x68: {  	_ =	shalt  }
0x69: {  	_ =	shalt  }
0x6a: {  	_ =	shalt  }
0x6b: {  	_ =	shalt  }
0x6c: {  	_ =	shalt  }
0x6d: {  	_ =	shalt  }
0x6e: {  	_ =	shalt  }
0x6f: {  	_ =	shalt  }
0x70: {  	_ =	shalt  }
0x71: {  	_ =	shalt  }
0x72: {  	_ =	shalt  }
0x73: {  	_ =	shalt  }
0x74: {  	_ =	shalt  }
0x75: {  	_ =	shalt  }
0x76: {  	_ =	shalt  }
0x77: {  	_ =	shalt  }
0x78: {  	_ =	shalt  }
0x79: {  	_ =	shalt  }
0x7a: {  	_ =	shalt  }
0x7b: {  	_ =	shalt  }
0x7c: {  	_ =	shalt  }
0x7d: {  	_ =	shalt  }
0x7e: {  	_ =	shalt  }
0x7f: {  	_ =	shalt  }
0x80: {  	_ =	shalt  }
0x81: {  	_ =	shalt  }
0x82: {  	_ =	shalt  }
0x83: {  	_ =	shalt  }
0x84: {  	_ =	shalt  }
0x85: {  	_ =	shalt  }
0x86: {  	_ =	shalt  }
0x87: {  	_ =	shalt  }
.Lfunc_end0:
.L_simem_size_0:
called_computation.1_lowered:
.L_overlay_start_0:
0x88: {  	s2 =	sld [smem:$0x3FD9]  }
0x89: {  	s3 =	sld [smem:$0x3FFE];
	_ =	sdelay $0x1  }
0x8a: {  	s1 =	srdreg.scid  }
0x8b: {  	s0 =	sand.u32 $0x1, s1  }
0x8c: {  	s17 =	sshll.u32 s0, $0xA;
	s2 =	sadd.s32 s3, s2  }
0x8d: {  	s2 =	sadd.s32 s2, s17  }
0x8e: {  	[smem:$0x3FC1] =	sst s2  }
0x8f: {  	_ = 	snop  }
0x90: {  	s2 =	sld [smem:$0x3FC8]  }
0x91: {  	s18 =	sld [smem:$0x3FC7];
	(tm) =	ssettm $0x1  }
0x92: {  	s4 =	sld [smem:$0x3FFB];
	_ =	sdelay $0x3  }
0x93: {  	_ =	strace s4  }
0x94: {  	s4 =	sld [smem:$0x3FFC];
	_ =	sdelay $0x3  }
0x95: {  	_ =	strace s4  }
0x96: {  	s4 =	sld [smem:$0x3FFD];
	_ =	sdelay $0x3  }
0x97: {  	_ =	strace s4  }
0x98: {  	_ =	strace $0x8FFFFFFF  }
0x99: {  	s19 =	sld [smem:$0x3FDB];
	_ =	sdelay $0x1  }
0x9a: {  	s5 =	simm.s32 $_scs_section_size  }
0x9b: {  	s6 =	simm.s32 $_size__tile_overlayer_lowered;
	s7 =	simm.s32 $_tile_overlayer_lowered  }
0x9c: {  	s22 =	simm.s32 $0x1BFF;
	s21 =	sshll.u32 s7, $0x1;
	s4 =	sadd.s32 s5, s19  }
0x9d: {  	s8 =	simm.s32 $0x0;
	s20 =	sshll.u32 s6, $0x1;
	s6 =	sadd.s32 s21, s4  }
0x9e: {  	[timem:s8], [sflag:s22] =	dma.local [hbm:s6], s20  }
0x9f: {  	_ =	swait.ge [sflag:s22], s20  }
0xa0: {  	s5 =	ssub.s32 $0x0, s20;
	[sflag:s22] =	ssyncset.done $0x0  }
0xa1: {  	[sflag:s22] =	ssyncadd.s32 s5;
	_ =	sdelay $0x1  }
0xa2: {  	s23 =	simm.s32 $0x1B8B  }
0xa3: {  	_ =	swait.ge [sflag:s23], $0x1  }
0xa4: {  	[sflag:s23] =	ssyncset.done $0x0  }
0xa5: {  	s25 =	simm.s32 $0x1B8E;
	s24 =	sld [smem:$0x3FFE];
	[sflag:s23] =	ssyncadd.s32 $0xFFFFFFFF  }
0xa6: {  	s26 =	simm.s32 $execute0_lowered;
	[smem:$0x3FD2] =	sst s25  }
0xa7: {  	s6 =	sshll.u32 s26, $0x1;
	_ =	strace $0x80000049;
	[dreg:$0x1] =	wrdreg $0xFFFFFFFF  }
0xa8: {  	s28 =	simm.s32 $_size_execute0_lowered;
	s4 =	sadd.s32 s4, s6;
	[dreg:$0x0] =	wrdreg $0x0  }
0xa9: {  	s6 =	sshll.u32 s28, $0x1;
	[dreg:$0x2] =	wrdreg s4  }
0xaa: {  	[dreg:$0x3] =	wrdreg s6  }
0xab: {  	[dreg:$0x4] =	wrdreg $0xC0  }
0xac: {  	_ =	task [dreg:s8], $0x5FFFF  }
0xad: {  	[dreg:$0x1] =	wrdreg $0xFFFFFFFF  }
0xae: {  	[dreg:$0x0] =	wrdreg $0x60  }
0xaf: {  	[dreg:$0x2] =	wrdreg s2  }
0xb0: {  	[dreg:$0x3] =	wrdreg s24  }
0xb1: {  	[dreg:$0x4] =	wrdreg s18  }
0xb2: {  	[dreg:$0x5] =	wrdreg $0x9F800  }
0xb3: {  	[dreg:$0x6] =	wrdreg $0x9  }
0xb4: {  	_ =	task.clear_ibuf [dreg:s8], $0x7FFFF;
	_ =	strace $0x90000049  }
0xb5: {  	s29 =	simm.s32 $0x9;
	_ =	strace $0x8000004B  }
0xb6: {  	_ =	swait.ge [sflag:s29], $0x1  }
0xb7: {  	[sflag:s29] =	ssyncadd.s32 $0xFFFFFFFF  }
0xb8: {  	_ =	strace $0x9000004B  }
0xb9: {  	_ =	sfence  }
0xba: {  	s30 =	sld [smem:$0x0];
	_ =	sdelay $0x2  }
0xbb: {  	s31 =	sshll.u32 s1, $0xD;
	s1 =	sshrl.u32 s1, $0x2  }
0xbc: {  	s3 =	sand.u32 $0x4000, s31;
	s1 =	sadd.s32 s1, s30  }
0xbd: {  	s0 =	sor.u32 s3, s0;
	s1 =	sshll.u32 s1, $0x11  }
0xbe: {  	s0 =	sor.u32 s1, s0  }
0xbf: {  	s0 =	sadd.s32 $0x8F2B, s0  }
0xc0: {  	[sflag:s0] =	ssyncadd.remote.s32 $0x1  }
0xc1: {  	_ =	sfence.sel $0xFFFF  }
0xc2: {  	[dreg:$0x0] =	wrdreg $0xFFFFFFFF;
	(pc) =	sbr.abs _section_cstart, $3  }
0xc3: {  	[dreg:$0x1] =	wrdreg $0xFFFFFFFF  }
0xc4: {  	_ =	task.clear_ibuf [dreg:s8], $0x2FFFF;
	_ =	strace $0x9FFFFFFF  }
0xc5: {  	(tm) =	ssettm $0x7FFFFFFF  }
tec
execute0_lowered:
.L_overlay_start_1:
0x0: {  	(tag) =	ssettag $0x1  }
0x1: {  	s6 =	rddreg [dreg:$0x0]  }
0x2: {  	s5 =	rddreg [dreg:$0x1]  }
0x3: {  	s10 =	rddreg [dreg:$0x2]  }
0x4: {  	s1 =	rddreg [dreg:$0x3]  }
0x5: {  	s2 =	simm.s32 $0x0;
	s18 =	stileid.u32;
	s4 =	srdreg.scid  }
0x6: {  	s20 =	simm.f32 $1.000000000e+00;
	s21 =	simm.s32 $0xA200;
	[smem:$0x7FF] =	sst s2  }
0x7: {  	s3 =	smul.u32 $0x280, s18;
	s11 =	sand.u32 $0x1, s4;
	s22 =	sshll.u32 s18, $0x1  }
0x8: {  	s4 =	sadd.s32 $0x2200, s5;
	p0 =	slt.u32 s18, $0x2;
	s25 =	smul.u32 $0xA00, s18  }
0x9: {  	s19 =	smul.u32 $0x9C, s18;
	_ =	strace $0x8000004A;
	s7 =	sor.u32 s11, s22  }
0xa: {  	s23 =	ssub.s32 $0x2, s11;
	s29 =	smul.u32 $0x4E, s11;
	s22 =	simm.s32 $0xAB00  }
0xb: {  	s8 =	sshrl.u32 s3, $0x3;
	s9 =	smul.u32 $0x4E, s7;
	s13 =	smin.u32 s7, $0x4  }
0xc: {  	s7 =	sshll.u32 s7, $0x4;
	s14 =	sshrl.u32 s23, $0x1;
	s16 =	smin.u32 s3, $0x2490  }
0xd: {  	s26 =	sshrl.u32 s25, $0x2;
	s25 =	simm.s32 $0x0;
	s12 =	sadd.s32 s8, s5  }
0xe: {  	s15 =	sadd.s32 s7, s5;
	s14 =	ssub.s32 s23, s14;
	s5 =	simm.s32 $0x278  }
0xf: {  	s17 =	ssub.s32 s3, s16;
	s28 =	sshrl.u32 s16, $0x3;
	s30 =	sadd.s32 s19, s13  }
0x10: {  	s19 =	simm.s32 $0x50;
	s23 =	simm.s32 $0xAD80;
	s9 =	sadd.s32 s13, s9  }
0x11: {  	s5 =	simm.s32 @!p0 $0x270;
	s8 =	sadd.s32 $0x2800, s12;
	p0 =	seq.s32 s11, $0x0  }
0x12: {  	s10 =	sadd.s32 s10, s28;
	s13 =	sadd.s32 s29, s30;
	s11 =	sadd.s32 $0xAB00, s17  }
0x13: {  	s14 =	smax.u32 s14, $0x1;
	s17 =	simm.s32 $0x4F00;
	s24 =	smin.u32 s9, $0x975  }
0x14: {  	s9 =	sadd.s32 $0x2E00, s12;
	s20 =	simm.s32 @!p0 $0x0;
	s12 =	sadd.s32 $0x3400, s15  }
0x15: {  	s16 =	smax.u32 s13, $0x975;
	s13 =	sadd.s32 $0x3600, s15;
	p0 =	sne.s32 s18, $0x0  }
0x16: {  	v1 =	vlaneseq.u32;
	v2 =	vimm.f32 $0.0e+00;
	s18 =	simm.s32 $0x7700;
	s7 =	sshll.u32 s24, $0x5;
	s31 =	sshll.u32 s16, $0x8  }
0x17: {  	vm0 =	vmxor vm0, vm0;
	v3 =	vor.u32 $0x10, v1;
	s16 =	simm.s32 $0x1;
	v0 =	vmov s20;
	s20 =	simm.s32 $0x9F00;
	s24 =	simm.s32 $0xAE00  }
0x18: {  	v4 =	vor.u32 $0x20, v1;
	v5 =	vor.u32 $0x30, v1;
	v6 =	vor.u32 $0x40, v1;
	s6 =	sadd.s32 s6, s7;
	s7 =	sadd.s32 s26, s1;
	s15 =	sadd.s32 $0xFFF68B80, s31  }
.LBB2_1:
0x19: {  	[tilespmem:s2], [sflag:$0x1] =	stream.linear.gather [hbm4b:s6+s2], $0x4F00, $0x38;
	[tilespmem:$0xAE80] =	vst v63  }
0x1a: {  	_ =	swait.ge [sflag:s16], $0x4F00  }
0x1b: {  	[sflag:s16] =	ssyncset.done $0x0  }
0x1c: {  	[sflag:s16] =	ssyncadd.s32 $0xFFFFB100  }
0x1d: {  	[tilespmem:s17], [sflag:$0x1] =	stream.linear.gather [hbm4b:s4+s2], $0x2800, $0x38;
	[tilespmem:$0xAE80] =	vst v63  }
0x1e: {  	_ =	swait.ge [sflag:s16], $0x2800  }
0x1f: {  	[sflag:s16] =	ssyncset.done $0x0  }
0x20: {  	s26 =	simm.s32 $0x0;
	s28 =	simm.s32 $0x200;
	[sflag:s16] =	ssyncadd.s32 $0xFFFFD800  }
.LBB2_2:
0x21: {  	p1 =	sne.s32 s28, $0x9E00;
	[tilespmem:s26+$0x7770] =	vst v2  }
0x22: {  	[tilespmem:s26+$0x7700] =	vst v2  }
0x23: {  	[tilespmem:s26+$0x7710] =	vst v2  }
.Ltmp0:
0x24: {  	[tilespmem:s26+$0x7720] =	vst v2;
	(pc) =	sbr.rel @p1 .LBB2_2-.Ltmp0, $4  }
0x25: {  	[tilespmem:s26+$0x7730] =	vst v2  }
0x26: {  	[tilespmem:s26+$0x7740] =	vst v2  }
0x27: {  	[tilespmem:s26+$0x7750] =	vst v2  }
0x28: {  	[tilespmem:s26+$0x7760] =	vst v2;
	s26 =	sshra.s32 s28, $0x2;
	s28 =	sadd.s32 $0x200, s28  }
0x29: {  	[tilespmem:s26+$0x7770] =	vst v2  }
0x2a: {  	[tilespmem:s26+$0x7700] =	vst v2  }
0x2b: {  	[tilespmem:s26+$0x7710] =	vst v2  }
0x2c: {  	[tilespmem:s26+$0x7720] =	vst v2  }
0x2d: {  	[tilespmem:s26+$0x7730] =	vst v2  }
0x2e: {  	[tilespmem:s26+$0x7740] =	vst v2  }
0x2f: {  	[tilespmem:s26+$0x7750] =	vst v2  }
0x30: {  	[tilespmem:s26+$0x7760] =	vst v2  }
0x31: {  	[tilespmem:$0x9F00] =	vst v1  }
0x32: {  	[tilespmem:$0x9F10] =	vst v3  }
0x33: {  	[tilespmem:$0x9F20] =	vst v4  }
0x34: {  	[tilespmem:$0x9F30] =	vst v5  }
0x35: {  	s26 =	simm.s32 @!p0 $0x7700;
	[tilespmem:$0x9F40] =	vst v6  }
0x36: {  	[spmem:s1] =	stream.linear.scatter @!p0 [tilespmem:s26], [sflag:$0x1], $0x2800, $0x38;
	[tilespmem:$0xAE80] =	vst v63  }
0x37: {  	s26 =	simm.s32 @!p0 $0x1  }
0x38: {  	_ =	swait.ge @!p0 [sflag:s26], $0x2800  }
0x39: {  	[sflag:s26] =	ssyncset.done @!p0 $0x0  }
0x3a: {  	[sflag:s26] =	ssyncadd.s32 @!p0 $0xFFFFD800  }
0x3b: {  	[bflag:$0x0] =	sbarrier.arrive $0xFFFF  }
0x3c: {  	v7 =	vld [tilespmem:s15+$0xFFFFFFF0]  }
0x3d: {  	v8 =	vld [tilespmem:s15+$0xFFFFFF90]  }
0x3e: {  	v9 =	vld [tilespmem:s15+$0xFFFFFFA0]  }
0x3f: {  	v10 =	vld [tilespmem:s15+$0xFFFFFFB0]  }
0x40: {  	v11 =	vld [tilespmem:s15+$0xFFFFFFC0]  }
0x41: {  	v12 =	vld [tilespmem:s15+$0xFFFFFFD0]  }
0x42: {  	v13 =	vld [tilespmem:s15+$0x70]  }
0x43: {  	v14 =	vld [tilespmem:s15+$0xFFFFFFE0]  }
0x44: {  	v15 =	vld [tilespmem:s15+$0xFFFFFF80]  }
0x45: {  	v63 =	vld [tilespmem:s15+$0x0]  }
0x46: {  	v17 =	vld [tilespmem:s15+$0x10]  }
0x47: {  	v18 =	vld [tilespmem:s15+$0x20]  }
0x48: {  	v19 =	vld [tilespmem:s15+$0x30]  }
0x49: {  	v20 =	vld [tilespmem:s15+$0x40]  }
0x4a: {  	v21 =	vld [tilespmem:s15+$0x50]  }
0x4b: {  	v7 =	vld.idx.msk [tilespmem:v7+s17+$0x0], $0xffff  }
0x4c: {  	v16 =	vld.idx.msk [tilespmem:v8+s17+$0x0], $0xffff  }
0x4d: {  	v9 =	vld.idx.msk [tilespmem:v9+s17+$0x0], $0xffff  }
0x4e: {  	v10 =	vld.idx.msk [tilespmem:v10+s17+$0x0], $0xffff  }
0x4f: {  	v11 =	vld.idx.msk [tilespmem:v11+s17+$0x0], $0xffff  }
0x50: {  	v62 =	vld.idx.msk [tilespmem:v15+s17+$0x0], $0xffff  }
0x51: {  	v12 =	vld.idx.msk [tilespmem:v12+s17+$0x0], $0xffff  }
0x52: {  	v8 =	vld [tilespmem:s15+$0x60]  }
0x53: {  	[tilespmem:v13+s18+$0x0] =	vst.idx.add.f32.msk $0xffff, v7  }
0x54: {  	v7 =	vld.idx.msk [tilespmem:v14+s17+$0x0], $0xffff  }
0x55: {  	p1 =	sgt.u32 s5, $0x8;
	[tilespmem:v63+s18+$0x0] =	vst.idx.add.f32.msk $0xffff, v62  }
.Ltmp1:
0x56: {  	[tilespmem:v17+s18+$0x0] =	vst.idx.add.f32.msk $0xffff, v16;
	(pc) =	sbr.rel @!p1 .LBB2_5-.Ltmp1, $4  }
0x57: {  	[tilespmem:v18+s18+$0x0] =	vst.idx.add.f32.msk $0xffff, v9  }
0x58: {  	[tilespmem:v19+s18+$0x0] =	vst.idx.add.f32.msk $0xffff, v10  }
0x59: {  	[tilespmem:v20+s18+$0x0] =	vst.idx.add.f32.msk $0xffff, v11  }
0x5a: {  	s28 =	sadd.s32 $0x100, s15;
	s26 =	simm.s32 $0x8;
	[tilespmem:v21+s18+$0x0] =	vst.idx.add.f32.msk $0xffff, v12  }
.LBB2_4:
0x5b: {  	v9 =	vld [tilespmem:s28+$0xFFFFFFF0];
	s26 =	sadd.s32 $0x8, s26  }
0x5c: {  	v10 =	vld [tilespmem:s28+$0xFFFFFF90];
	p1 =	slt.u32 s26, s5  }
0x5d: {  	v11 =	vld [tilespmem:s28+$0xFFFFFFA0]  }
0x5e: {  	v12 =	vld [tilespmem:s28+$0xFFFFFFB0]  }
0x5f: {  	v13 =	vld [tilespmem:s28+$0xFFFFFFC0]  }
0x60: {  	v14 =	vld [tilespmem:s28+$0xFFFFFFD0]  }
0x61: {  	v15 =	vld [tilespmem:s28+$0x70]  }
0x62: {  	v16 =	vld [tilespmem:s28+$0xFFFFFFE0]  }
0x63: {  	v9 =	vld.idx.msk [tilespmem:v9+s17+$0x0], $0xffff  }
0x64: {  	v17 =	vld [tilespmem:s28+$0xFFFFFF80]  }
0x65: {  	v10 =	vld.idx.msk [tilespmem:v10+s17+$0x0], $0xffff  }
0x66: {  	v11 =	vld.idx.msk [tilespmem:v11+s17+$0x0], $0xffff  }
0x67: {  	v12 =	vld.idx.msk [tilespmem:v12+s17+$0x0], $0xffff  }
0x68: {  	v13 =	vld.idx.msk [tilespmem:v13+s17+$0x0], $0xffff  }
0x69: {  	[tilespmem:v15+s18+$0x0] =	vst.idx.add.f32.msk $0xffff, v9  }
0x6a: {  	v9 =	vld.idx.msk [tilespmem:v14+s17+$0x0], $0xffff  }
0x6b: {  	v14 =	vld.idx.msk [tilespmem:v16+s17+$0x0], $0xffff  }
0x6c: {  	v15 =	vld.idx.msk [tilespmem:v17+s17+$0x0], $0xffff  }
0x6d: {  	v16 =	vld [tilespmem:s28+$0x0]  }
0x6e: {  	v17 =	vld [tilespmem:s28+$0x10]  }
0x6f: {  	v18 =	vld [tilespmem:s28+$0x20]  }
0x70: {  	v19 =	vld [tilespmem:s28+$0x30]  }
0x71: {  	v20 =	vld [tilespmem:s28+$0x40]  }
0x72: {  	v21 =	vld [tilespmem:s28+$0x50]  }
0x73: {  	v22 =	vld [tilespmem:s28+$0x60]  }
0x74: {  	[tilespmem:v8+s18+$0x0] =	vst.idx.add.f32.msk $0xffff, v7;
	v7 =	vmov v14  }
0x75: {  	[tilespmem:v16+s18+$0x0] =	vst.idx.add.f32.msk $0xffff, v15  }
.Ltmp2:
0x76: {  	[tilespmem:v17+s18+$0x0] =	vst.idx.add.f32.msk $0xffff, v10;
	(pc) =	sbr.rel @p1 .LBB2_4-.Ltmp2, $4  }
0x77: {  	[tilespmem:v18+s18+$0x0] =	vst.idx.add.f32.msk $0xffff, v11  }
0x78: {  	[tilespmem:v19+s18+$0x0] =	vst.idx.add.f32.msk $0xffff, v12;
	v8 =	vmov v22  }
0x79: {  	[tilespmem:v20+s18+$0x0] =	vst.idx.add.f32.msk $0xffff, v13  }
0x7a: {  	s28 =	sadd.s32 $0x100, s28;
	[tilespmem:v21+s18+$0x0] =	vst.idx.add.f32.msk $0xffff, v9  }
.LBB2_5:
0x7b: {  	_ =	sdelay $0x3  }
0x7c: {  	[tilespmem:v8+s18+$0x0] =	vst.idx.add.f32.msk $0xffff, v7  }
0x7d: {  	[spmem:s1] =	stream.indirect.scatter.add.f32 [tilespmem:s18], [sflag:$0x1], $0x80, s20, s19, $0xb8;
	[tilespmem:$0xAE80] =	vst v63  }
0x7e: {  	_ =	swait.ge [sflag:s16], $0x2800  }
0x7f: {  	[sflag:s16] =	ssyncset.done $0x0  }
0x80: {  	[sflag:s16] =	ssyncadd.s32 $0xFFFFD800  }
0x81: {  	[bflag:$0x0] =	sbarrier.arrive $0xFFFF  }
0x82: {  	[tilespmem:s21], [sflag:$0x1] =	stream.linear.gather [spmem:s7], $0x280, $0x38;
	[tilespmem:$0xAE80] =	vst v63  }
0x83: {  	_ =	swait.ge [sflag:s16], $0x280  }
0x84: {  	[sflag:s16] =	ssyncset.done $0x0  }
0x85: {  	s26 =	simm.s32 $0x0;
	s28 =	simm.s32 $0xA600;
	[sflag:s16] =	ssyncadd.s32 $0xFFFFFD80  }
0x86: {  	[tilespmem:s28], [sflag:$0x1] =	stream.linear.gather [hbm4b:s8+s26], $0x280, $0x38;
	[tilespmem:$0xAE80] =	vst v63  }
0x87: {  	_ =	swait.ge [sflag:s16], $0x280  }
0x88: {  	[sflag:s16] =	ssyncset.done $0x0  }
0x89: {  	s29 =	simm.s32 $0xA880;
	[sflag:s16] =	ssyncadd.s32 $0xFFFFFD80  }
0x8a: {  	[tilespmem:s29], [sflag:$0x1] =	stream.linear.gather [hbm4b:s9+s26], $0x280, $0x38;
	[tilespmem:$0xAE80] =	vst v63  }
0x8b: {  	_ =	swait.ge [sflag:s16], $0x280  }
0x8c: {  	[sflag:s16] =	ssyncset.done $0x0  }
0x8d: {  	[sflag:s16] =	ssyncadd.s32 $0xFFFFFD80  }
0x8e: {  	[tilespmem:s22], [sflag:$0x1] =	stream.linear.gather [hbm4b:s10+s26], $0x280, $0x38;
	[tilespmem:$0xAE80] =	vst v63  }
0x8f: {  	_ =	swait.ge [sflag:s16], $0x280  }
0x90: {  	[sflag:s16] =	ssyncset.done $0x0  }
0x91: {  	[sflag:s16] =	ssyncadd.s32 $0xFFFFFD80  }
0x92: {  	[tilespmem:$0xAD80] =	vst v2  }
0x93: {  	[tilespmem:$0xAE00] =	vst v2  }
0x94: {  	[tilespmem:$0xAD90] =	vst v2  }
0x95: {  	[tilespmem:$0xAE10] =	vst v2  }
0x96: {  	[tilespmem:$0xADA0] =	vst v2  }
0x97: {  	[tilespmem:$0xAE20] =	vst v2  }
0x98: {  	[tilespmem:$0xADB0] =	vst v2  }
0x99: {  	[tilespmem:$0xAE30] =	vst v2  }
0x9a: {  	[tilespmem:$0xADC0] =	vst v2  }
0x9b: {  	[tilespmem:$0xAE40] =	vst v2  }
0x9c: {  	[tilespmem:$0xADD0] =	vst v2  }
0x9d: {  	[tilespmem:$0xAE50] =	vst v2  }
0x9e: {  	[tilespmem:$0xADE0] =	vst v2  }
0x9f: {  	[tilespmem:$0xAE60] =	vst v2  }
0xa0: {  	[tilespmem:$0xADF0] =	vst v2  }
0xa1: {  	s30 =	sand.u32 $0x3F0, s26;
	[tilespmem:$0xAE70] =	vst v2  }
0xa2: {  	v7 =	vld [tilespmem:s30+$0xA200]  }
0xa3: {  	v8 =	vld [tilespmem:s28+$0x0]  }
0xa4: {  	s31 =	simm.s32 $0x10;
	v9 =	vld [tilespmem:s29+$0x0];
	s30 =	smov.u32 s11  }
.LBB2_6:
0xa5: {  	p1 =	sne.s32 s31, $0x270;
	s0 =	sadd.s32 s26, s3;
	v10 =	vld [tilespmem:s30+$0x0];
	s26 =	smov.u32 s31  }
0xa6: {  	vm1 =	vmmov vm0;
	p2 =	slt.u32 s0, $0x2710  }
0xa7: {  	vm1 =	vmneg @p2 vm1;
	_ =	sdelay $0x1  }
0xa8: {  	v7 =	vmul.f32 v7, v8;
	v8 =	vmul.f32 v9, v0;
	_ =	sdelay $0x1  }
0xa9: {  	v7 =	vadd.f32 v8, v7;
	_ =	sdelay $0x1  }
.Ltmp3:
0xaa: {  	[tilespmem:v10+s23+$0x0] =	vst.idx.add.f32.msk vm1, v7;
	(pc) =	sbr.rel @p1 .LBB2_6-.Ltmp3, $4  }
0xab: {  	s0 =	sand.u32 $0x3F0, s31;
	[tilespmem:v10+s24+$0x0] =	vst.idx.add.f32.msk vm1, v0  }
0xac: {  	s28 =	sadd.s32 $0x10, s28;
	v7 =	vld [tilespmem:s0+$0xA200]  }
0xad: {  	s29 =	sadd.s32 $0x10, s29;
	v8 =	vld [tilespmem:s28+$0x0]  }
0xae: {  	s30 =	sadd.s32 $0x10, s30;
	s31 =	sadd.s32 $0x10, s31;
	v9 =	vld [tilespmem:s29+$0x0]  }
0xaf: {  	s0 =	sadd.s32 s26, s3;
	v10 =	vld [tilespmem:s30+$0x0]  }
0xb0: {  	vm1 =	vmmov vm0;
	p1 =	slt.u32 s0, $0x2710  }
0xb1: {  	vm1 =	vmneg @p1 vm1;
	_ =	sdelay $0x1  }
0xb2: {  	v7 =	vmul.f32 v7, v8;
	v8 =	vmul.f32 v9, v0;
	_ =	sdelay $0x1  }
0xb3: {  	v7 =	vadd.f32 v8, v7;
	_ =	sdelay $0x1  }
0xb4: {  	[tilespmem:v10+s23+$0x0] =	vst.idx.add.f32.msk vm1, v7  }
0xb5: {  	[tilespmem:v10+s24+$0x0] =	vst.idx.add.f32.msk vm1, v0  }
0xb6: {  	[hbm4b:s12+s2] =	stream.linear.scatter [tilespmem:s23], [sflag:$0x1], $0x80, $0x38;
	[tilespmem:$0xAE80] =	vst v63  }
0xb7: {  	s25 =	sadd.s32 $0x1, s25;
	_ =	swait.ge [sflag:s16], $0x80  }
0xb8: {  	p1 =	sne.s32 s25, s14;
	[sflag:s16] =	ssyncset.done $0x0  }
.Ltmp4:
0xb9: {  	[sflag:s16] =	ssyncadd.s32 $0xFFFFFF80;
	(pc) =	sbr.rel @p1 .LBB2_1-.Ltmp4, $4  }
0xba: {  	[hbm4b:s13+s2] =	stream.linear.scatter [tilespmem:s24], [sflag:$0x1], $0x80, $0x38;
	[tilespmem:$0xAE80] =	vst v63  }
0xbb: {  	_ =	swait.ge [sflag:s16], $0x80  }
0xbc: {  	[sflag:s16] =	ssyncset.done $0x0  }
0xbd: {  	[sflag:s16] =	ssyncadd.s32 $0xFFFFFF80  }
0xbe: {  	_ =	sfence.sel $0x180000  }
0xbf: {  	[bflag:$0x0] =	sbarrier.arrive $0xFFFF  }
0xc0: {  	_ =	strace $0x9000004A  }
0xc1: {  	[bflag:$0x2] =	sbarrier.arrive $0xFFFF  }
0xc2: {  	s0 =	rddreg [dreg:$0x4]  }
0xc3: {  	s0 =	sadd.s32 @!p0 $0x100000, s0  }
0xc4: {  	[sflag:s0] =	ssyncadd.tile.s32 @!p0 $0x1;
	_ =	shalt  }
.Lfunc_end2:
_tile_overlayer_lowered:
.L_overlay_start_2:
0xc5: {  	(tag) =	ssettag $0x2  }
0xc6: {  	s0 =	rddreg [dreg:$0x0];
	s2 =	stileid.u32  }
0xc7: {  	s1 =	rddreg [dreg:$0x1];
	p0 =	sne.s32 s2, $0x0  }
0xc8: {  	s3 =	rddreg [dreg:$0x2];
	[bflag:$0x3] =	sbarrier.arrive $0xFFFF;
	s2 =	simm.s32 @!p0 $0x1C01  }
0xc9: {  	[timem:s3], [sflag:s2] =	dma.local @!p0 [hbm:s0], s1  }
0xca: {  	s0 =	simm.s32 @!p0 $0x1  }
0xcb: {  	_ =	swait.ge @!p0 [sflag:s0], s1  }
0xcc: {  	s1 =	ssub.s32 @!p0 $0x0, s1;
	[sflag:s0] =	ssyncset.done @!p0 $0x0  }
0xcd: {  	[sflag:s0] =	ssyncadd.s32 @!p0 s1  }
0xce: {  	[bflag:$0x3] =	sbarrier.arrive $0xFFFF  }
0xcf: {  	_ =	shalt  }

// kernel: kernel.7.cloned.1.call-start
scs
__scs_entry_jumppad:
0x0: {  	(pc) =	sbr.rel $0x88, $3  }
0x1: {  	(tag) =	ssettag $0x0;
	lr =	simm.s32 $0x1  }
0x2: {  	[smem:$0x3F9A] =	sst lr;
	_ =	strace $0xD0000000  }
0x3: {  	_ = 	snop  }
0x4: {  	_ = 	snop  }
0x5: {  	_ = 	snop  }
0x6: {  	_ = 	snop  }
0x7: {  	_ = 	snop  }
__scs_overlays_trampoline_lowered:
0x8: {  	[smem:$0x3FA9] =	sst s0  }
0x9: {  	[smem:$0x3FAA] =	sst s1  }
0xa: {  	[smem:$0x3FAB] =	sst s2  }
0xb: {  	[smem:$0x3FAC] =	sst s3  }
0xc: {  	[smem:$0x3FAD] =	sst s4  }
0xd: {  	[smem:$0x3FAE] =	sst s5  }
0xe: {  	[smem:$0x3FAF] =	sst s6  }
0xf: {  	[smem:$0x3FB0] =	sst s7  }
0x10: {  	[smem:$0x3FB1] =	sst s8  }
0x11: {  	[smem:$0x3FB2] =	sst s9;
	s0 =	simm.s32 @!p0 $0x0  }
0x12: {  	s1 =	sld [smem:$0x3F98];
	s0 =	simm.s32 @p0 $0x1  }
0x13: {  	[smem:$0x3FB3] =	sst s0;
	s0 =	simm.s32 @!p1 $0x0  }
0x14: {  	s2 =	sld [smem:$0x3F97];
	s0 =	simm.s32 @p1 $0x1  }
0x15: {  	[smem:$0x3FB4] =	sst s0;
	s0 =	simm.s32 @!p2 $0x0  }
0x16: {  	s3 =	sld [smem:$0x3FDB];
	s0 =	simm.s32 @p2 $0x1  }
0x17: {  	s4 =	simm.s32 $0x1BF5;
	[smem:$0x3FB6] =	sst s0  }
0x18: {  	s0 =	sld [smem:$0x3F99];
	_ =	swait.ge [sflag:s4], $0x0  }
0x19: {  	s7 =	sld [smem:$0x3F9A]  }
0x1a: {  	s8 =	sadd.s32 $0xFFFFE003, lr  }
0x1b: {  	s9 =	sadd.s32 $0xFFFFFEF7, lr;
	s5 =	simm.s32 $0xFFFFFFFF;
	p2 =	slt.u32 s8, $0xFFFFF086  }
0x1c: {  	p1 =	slt.u32 s9, $0xF7A;
	s5 =	simm.s32 @!p2 $0x0  }
0x1d: {  	s5 =	simm.s32 @p1 $0x1;
	p0 =	seq.s32 s7, s2  }
0x1e: {  	s7 =	smul.u32 @!p0 $0xF7A, s2;
	p2 =	seq.s32 @!p0 s5, $0x0  }
0x1f: {  	s9 =	smul.u32 $0xF7A, s1;
	s8 =	simm.s32 @!p0 $0x1BF5;
	p2 =	por !p2, p0  }
0x20: {  	[sflag:s8] =	ssyncset.s32 @!p0 $0xFFFFF086;
	s6 =	sadd.s32 @!p0 s3, s7;
	s7 =	simm.s32 @!p0 $0x108  }
0x21: {  	s3 =	sadd.s32 s3, s9;
	s6 =	sadd.s32 @!p0 $0x88, s6;
	s7 =	simm.s32 @p2 $0x1082  }
0x22: {  	[simem:s7], [sflag:s8] =	dma.local @!p0 [hbm:s6], $0xF7A  }
0x23: {  	s9 =	sor.u32 $0xD0000000, s2;
	s6 =	simm.s32 $0x108;
	_ =	swait.ge @!p0 [sflag:s8], $0x0  }
0x24: {  	s3 =	sadd.s32 $0x88, s3;
	s6 =	simm.s32 @!p1 $0x1082;
	[sflag:s4] =	ssyncset.s32 $0xFFFFF086  }
0x25: {  	[simem:s6], [sflag:s4] =	dma.local [hbm:s3], $0xF7A  }
0x26: {  	[smem:$0x3F9A] =	sst s1;
	(tag) =	ssettag s2;
	_ =	strace s9  }
0x27: {  	s1 =	sld [smem:$0x3FAA]  }
0x28: {  	s2 =	sld [smem:$0x3FAB]  }
0x29: {  	s4 =	sld [smem:$0x3FAD]  }
0x2a: {  	p0 =	seq.s32 s5, $0x0;
	s5 =	sld [smem:$0x3FAE]  }
0x2b: {  	s6 =	sld [smem:$0x3FAF]  }
0x2c: {  	s7 =	sld [smem:$0x3FB0]  }
0x2d: {  	s3 =	simm.s32 $0x108;
	s8 =	sld [smem:$0x3FB1]  }
0x2e: {  	s3 =	simm.s32 @!p0 $0x1082;
	s9 =	sld [smem:$0x3FB2]  }
0x2f: {  	lr =	sadd.s32 s0, s3;
	s0 =	sld [smem:$0x3FA9]  }
0x30: {  	s3 =	sld [smem:$0x3FAC]  }
0x31: {  	[smem:$0x3FB5] =	sst s10  }
0x32: {  	s10 =	sld [smem:$0x3FB3];
	_ =	sdelay $0x3  }
0x33: {  	p0 =	seq.s32 s10, $0x1;
	s10 =	sld [smem:$0x3FB5];
	_ =	sdelay $0x3  }
0x34: {  	[smem:$0x3FB5] =	sst s10  }
0x35: {  	s10 =	sld [smem:$0x3FB4];
	_ =	sdelay $0x3  }
0x36: {  	p1 =	seq.s32 s10, $0x1;
	s10 =	sld [smem:$0x3FB5];
	_ =	sdelay $0x3  }
0x37: {  	[smem:$0x3FB5] =	sst s10  }
0x38: {  	s10 =	sld [smem:$0x3FB6]  }
0x39: {  	_ = 	snop;
	(pc) =	sbr.ind lr, $3  }
0x3a: {  	_ = 	snop  }
0x3b: {  	_ = 	snop  }
0x3c: {  	p2 =	seq.s32 s10, $0x1;
	s10 =	sld [smem:$0x3FB5]  }
0x3d: {  	_ =	shalt  }
0x3e: {  	_ =	shalt  }
0x3f: {  	_ =	shalt  }
0x40: {  	_ =	shalt  }
0x41: {  	_ =	shalt  }
0x42: {  	_ =	shalt  }
0x43: {  	_ =	shalt  }
0x44: {  	_ =	shalt  }
0x45: {  	_ =	shalt  }
0x46: {  	_ =	shalt  }
0x47: {  	_ =	shalt  }
0x48: {  	_ =	shalt  }
0x49: {  	_ =	shalt  }
0x4a: {  	_ =	shalt  }
0x4b: {  	_ =	shalt  }
0x4c: {  	_ =	shalt  }
0x4d: {  	_ =	shalt  }
0x4e: {  	_ =	shalt  }
0x4f: {  	_ =	shalt  }
0x50: {  	_ =	shalt  }
0x51: {  	_ =	shalt  }
0x52: {  	_ =	shalt  }
0x53: {  	_ =	shalt  }
0x54: {  	_ =	shalt  }
0x55: {  	_ =	shalt  }
0x56: {  	_ =	shalt  }
0x57: {  	_ =	shalt  }
0x58: {  	_ =	shalt  }
0x59: {  	_ =	shalt  }
0x5a: {  	_ =	shalt  }
0x5b: {  	_ =	shalt  }
0x5c: {  	_ =	shalt  }
0x5d: {  	_ =	shalt  }
0x5e: {  	_ =	shalt  }
0x5f: {  	_ =	shalt  }
0x60: {  	_ =	shalt  }
0x61: {  	_ =	shalt  }
0x62: {  	_ =	shalt  }
0x63: {  	_ =	shalt  }
0x64: {  	_ =	shalt  }
0x65: {  	_ =	shalt  }
0x66: {  	_ =	shalt  }
0x67: {  	_ =	shalt  }
0x68: {  	_ =	shalt  }
0x69: {  	_ =	shalt  }
0x6a: {  	_ =	shalt  }
0x6b: {  	_ =	shalt  }
0x6c: {  	_ =	shalt  }
0x6d: {  	_ =	shalt  }
0x6e: {  	_ =	shalt  }
0x6f: {  	_ =	shalt  }
0x70: {  	_ =	shalt  }
0x71: {  	_ =	shalt  }
0x72: {  	_ =	shalt  }
0x73: {  	_ =	shalt  }
0x74: {  	_ =	shalt  }
0x75: {  	_ =	shalt  }
0x76: {  	_ =	shalt  }
0x77: {  	_ =	shalt  }
0x78: {  	_ =	shalt  }
0x79: {  	_ =	shalt  }
0x7a: {  	_ =	shalt  }
0x7b: {  	_ =	shalt  }
0x7c: {  	_ =	shalt  }
0x7d: {  	_ =	shalt  }
0x7e: {  	_ =	shalt  }
0x7f: {  	_ =	shalt  }
0x80: {  	_ =	shalt  }
0x81: {  	_ =	shalt  }
0x82: {  	_ =	shalt  }
0x83: {  	_ =	shalt  }
0x84: {  	_ =	shalt  }
0x85: {  	_ =	shalt  }
0x86: {  	_ =	shalt  }
0x87: {  	_ =	shalt  }
.Lfunc_end0:
.L_simem_size_0:
called_computation_lowered:
.L_overlay_start_0:
0x88: {  	s2 =	sld [smem:$0x3FD9]  }
0x89: {  	s3 =	sld [smem:$0x3FFE];
	_ =	sdelay $0x1  }
0x8a: {  	s1 =	srdreg.scid  }
0x8b: {  	s0 =	sand.u32 $0x1, s1  }
0x8c: {  	s17 =	sshll.u32 s0, $0xA;
	s2 =	sadd.s32 s3, s2  }
0x8d: {  	s2 =	sadd.s32 s2, s17  }
0x8e: {  	[smem:$0x3FC1] =	sst s2  }
0x8f: {  	_ = 	snop  }
0x90: {  	s2 =	sld [smem:$0x3FC8];
	(tm) =	ssettm $0x1  }
0x91: {  	s18 =	sld [smem:$0x3FFB];
	_ =	sdelay $0x3  }
0x92: {  	_ =	strace s18  }
0x93: {  	s3 =	sld [smem:$0x3FFC];
	_ =	sdelay $0x3  }
0x94: {  	_ =	strace s3  }
0x95: {  	s3 =	sld [smem:$0x3FFD];
	_ =	sdelay $0x3  }
0x96: {  	_ =	strace s3  }
0x97: {  	_ =	strace $0x8FFFFFFF  }
0x98: {  	s19 =	sld [smem:$0x3FDB];
	_ =	sdelay $0x1  }
0x99: {  	s4 =	simm.s32 $_scs_section_size  }
0x9a: {  	s5 =	simm.s32 $_size__tile_overlayer_lowered;
	s6 =	simm.s32 $_tile_overlayer_lowered  }
0x9b: {  	s22 =	simm.s32 $0x1BFF;
	s21 =	sshll.u32 s6, $0x1;
	s3 =	sadd.s32 s4, s19  }
0x9c: {  	s7 =	simm.s32 $0x0;
	s20 =	sshll.u32 s5, $0x1;
	s5 =	sadd.s32 s21, s3  }
0x9d: {  	[timem:s7], [sflag:s22] =	dma.local [hbm:s5], s20  }
0x9e: {  	_ =	swait.ge [sflag:s22], s20  }
0x9f: {  	s4 =	ssub.s32 $0x0, s20;
	[sflag:s22] =	ssyncset.done $0x0  }
0xa0: {  	[sflag:s22] =	ssyncadd.s32 s4;
	_ =	sdelay $0x1  }
0xa1: {  	s23 =	simm.s32 $0x1B8B  }
0xa2: {  	_ =	swait.ge [sflag:s23], $0x1  }
0xa3: {  	[sflag:s23] =	ssyncset.done $0x0  }
0xa4: {  	s25 =	simm.s32 $0x1B8E;
	s24 =	sld [smem:$0x3FFE];
	[sflag:s23] =	ssyncadd.s32 $0xFFFFFFFF  }
0xa5: {  	s26 =	simm.s32 $execute0_lowered;
	[smem:$0x3FD2] =	sst s25  }
0xa6: {  	s5 =	sshll.u32 s26, $0x1;
	_ =	strace $0x80000046;
	[dreg:$0x1] =	wrdreg $0xFFFFFFFF  }
0xa7: {  	s28 =	simm.s32 $_size_execute0_lowered;
	s3 =	sadd.s32 s3, s5;
	[dreg:$0x0] =	wrdreg $0x0  }
0xa8: {  	s5 =	sshll.u32 s28, $0x1;
	[dreg:$0x2] =	wrdreg s3  }
0xa9: {  	[dreg:$0x3] =	wrdreg s5  }
0xaa: {  	[dreg:$0x4] =	wrdreg $0xC0  }
0xab: {  	_ =	task [dreg:s7], $0x5FFFF  }
0xac: {  	[dreg:$0x1] =	wrdreg $0xFFFFFFFF  }
0xad: {  	[dreg:$0x0] =	wrdreg $0x60  }
0xae: {  	[dreg:$0x2] =	wrdreg s2  }
0xaf: {  	[dreg:$0x3] =	wrdreg s24  }
0xb0: {  	[dreg:$0x4] =	wrdreg $0x77800  }
0xb1: {  	[dreg:$0x5] =	wrdreg $0x9  }
0xb2: {  	_ =	task.clear_ibuf [dreg:s7], $0x6FFFF;
	_ =	strace $0x90000046  }
0xb3: {  	s29 =	simm.s32 $0x9;
	_ =	strace $0x80000048  }
0xb4: {  	_ =	swait.ge [sflag:s29], $0x1  }
0xb5: {  	[sflag:s29] =	ssyncadd.s32 $0xFFFFFFFF  }
0xb6: {  	_ =	strace $0x90000048  }
0xb7: {  	_ =	sfence  }
0xb8: {  	s30 =	sld [smem:$0x0];
	_ =	sdelay $0x2  }
0xb9: {  	s31 =	sshll.u32 s1, $0xD;
	s1 =	sshrl.u32 s1, $0x2  }
0xba: {  	s3 =	sand.u32 $0x4000, s31;
	s1 =	sadd.s32 s1, s30  }
0xbb: {  	s0 =	sor.u32 s3, s0;
	s1 =	sshll.u32 s1, $0x11  }
0xbc: {  	s0 =	sor.u32 s1, s0  }
0xbd: {  	s0 =	sadd.s32 $0x8F2B, s0  }
0xbe: {  	[sflag:s0] =	ssyncadd.remote.s32 $0x1  }
0xbf: {  	_ =	sfence.sel $0xFFFF  }
0xc0: {  	[dreg:$0x0] =	wrdreg $0xFFFFFFFF;
	(pc) =	sbr.abs _section_cstart, $3  }
0xc1: {  	[dreg:$0x1] =	wrdreg $0xFFFFFFFF  }
0xc2: {  	_ =	task.clear_ibuf [dreg:s7], $0x2FFFF;
	_ =	strace $0x9FFFFFFF  }
0xc3: {  	(tm) =	ssettm $0x7FFFFFFF  }
tec
execute0_lowered:
.L_overlay_start_1:
0x0: {  	(tag) =	ssettag $0x1  }
0x1: {  	s4 =	rddreg [dreg:$0x0]  }
0x2: {  	s3 =	rddreg [dreg:$0x1]  }
0x3: {  	s1 =	rddreg [dreg:$0x2]  }
0x4: {  	s0 =	rddreg [dreg:$0x3];
	s5 =	srdreg.scid  }
0x5: {  	s11 =	stileid.u32;
	s2 =	simm.s32 $0x0;
	s12 =	simm.s32 $0x7700  }
0x6: {  	s14 =	simm.s32 $0x0;
	s5 =	sand.u32 $0x1, s5;
	s6 =	sshll.u32 s11, $0x1  }
0x7: {  	[smem:$0x7FF] =	sst s2;
	s9 =	smul.u32 $0x9C, s11;
	p0 =	slt.u32 s11, $0x2  }
0x8: {  	p1 =	seq.s32 s11, $0x0;
	s7 =	smul.u32 $0x500, s5;
	s6 =	sor.u32 s5, s6  }
0x9: {  	_ =	strace $0x80000047;
	s28 =	ssub.s32 $0x2, s5;
	s5 =	smul.u32 $0x4E, s5  }
0xa: {  	s13 =	sshrl.u32 @p1 s1, $0x3;
	s8 =	smul.u32 $0x4E, s6;
	s10 =	sshrl.u32 s28, $0x1  }
0xb: {  	s6 =	smin.u32 s6, $0x4;
	s7 =	sadd.s32 s7, s3;
	s10 =	ssub.s32 s28, s10  }
0xc: {  	s3 =	simm.s32 $0x278;
	s29 =	sadd.s32 s6, s8;
	s6 =	sadd.s32 s9, s6  }
0xd: {  	s3 =	simm.s32 @!p0 $0x270;
	s9 =	simm.s32 $0x1;
	p0 =	sne.s32 s11, $0x0  }
0xe: {  	s11 =	simm.s32 $0x50;
	s8 =	smin.u32 s29, $0x975;
	s5 =	sadd.s32 s5, s6  }
0xf: {  	v0 =	vlaneseq.u32;
	s6 =	smax.u32 s10, $0x1;
	s30 =	sshll.u32 s8, $0x5;
	s5 =	smax.u32 s5, $0x975  }
0x10: {  	v1 =	vimm.f32 $0.0e+00;
	v6 =	vimm.f32 $1.000000000e+00;
	v2 =	vor.u32 $0x10, v0;
	s10 =	simm.s32 $0x4F00;
	s4 =	sadd.s32 s4, s30;
	s31 =	sshll.u32 s5, $0x8  }
0x11: {  	v3 =	vor.u32 $0x20, v0;
	v4 =	vor.u32 $0x30, v0;
	v5 =	vor.u32 $0x40, v0;
	s5 =	sadd.s32 $0x2200, s7;
	s7 =	sadd.s32 $0xFFF68BE0, s31;
	s8 =	sadd.s32 $0xFFF68BD0, s31  }
.LBB2_1:
0x12: {  	[tilespmem:s2], [sflag:$0x1] =	stream.linear.gather [hbm4b:s4+s2], $0x4F00, $0x38;
	[tilespmem:$0x7A00] =	vst v63  }
0x13: {  	_ =	swait.ge [sflag:s9], $0x4F00  }
0x14: {  	[sflag:s9] =	ssyncset.done $0x0  }
0x15: {  	s15 =	simm.s32 $0x0;
	s16 =	simm.s32 $0x200;
	[sflag:s9] =	ssyncadd.s32 $0xFFFFB100  }
.LBB2_2:
0x16: {  	p2 =	sne.s32 s16, $0x9E00;
	[tilespmem:s15+$0x4F70] =	vst v1  }
0x17: {  	[tilespmem:s15+$0x4F00] =	vst v1  }
0x18: {  	[tilespmem:s15+$0x4F10] =	vst v1  }
.Ltmp0:
0x19: {  	[tilespmem:s15+$0x4F20] =	vst v1;
	(pc) =	sbr.rel @p2 .LBB2_2-.Ltmp0, $4  }
0x1a: {  	[tilespmem:s15+$0x4F30] =	vst v1  }
0x1b: {  	[tilespmem:s15+$0x4F40] =	vst v1  }
0x1c: {  	[tilespmem:s15+$0x4F50] =	vst v1  }
0x1d: {  	[tilespmem:s15+$0x4F60] =	vst v1;
	s15 =	sshra.s32 s16, $0x2;
	s16 =	sadd.s32 $0x200, s16  }
0x1e: {  	[tilespmem:s15+$0x4F70] =	vst v1  }
0x1f: {  	[tilespmem:s15+$0x4F00] =	vst v1  }
0x20: {  	[tilespmem:s15+$0x4F10] =	vst v1  }
0x21: {  	[tilespmem:s15+$0x4F20] =	vst v1  }
0x22: {  	[tilespmem:s15+$0x4F30] =	vst v1  }
0x23: {  	[tilespmem:s15+$0x4F40] =	vst v1  }
0x24: {  	[tilespmem:s15+$0x4F50] =	vst v1  }
0x25: {  	[tilespmem:s15+$0x4F60] =	vst v1  }
0x26: {  	[tilespmem:$0x7700] =	vst v0  }
0x27: {  	[tilespmem:$0x7710] =	vst v2  }
0x28: {  	[tilespmem:$0x7720] =	vst v3  }
0x29: {  	[tilespmem:$0x7730] =	vst v4  }
0x2a: {  	s15 =	simm.s32 @!p0 $0x4F00;
	[tilespmem:$0x7740] =	vst v5  }
0x2b: {  	[spmem:s1] =	stream.linear.scatter @!p0 [tilespmem:s15], [sflag:$0x1], $0x2800, $0x38;
	[tilespmem:$0x7A00] =	vst v63  }
0x2c: {  	s15 =	simm.s32 @!p0 $0x1  }
0x2d: {  	_ =	swait.ge @!p0 [sflag:s15], $0x2800  }
0x2e: {  	[sflag:s15] =	ssyncset.done @!p0 $0x0  }
0x2f: {  	[sflag:s15] =	ssyncadd.s32 @!p0 $0xFFFFD800  }
0x30: {  	s31 =	sadd.s32 $0xFFFFFFE0, s7;
	s16 =	sor.u32 $0x70, s7;
	[bflag:$0x0] =	sbarrier.arrive $0xFFFF  }
0x31: {  	s15 =	sor.u32 $0x60, s31;
	v8 =	vld [tilespmem:s16+$0x0]  }
0x32: {  	v9 =	vld [tilespmem:s15+$0x0]  }
0x33: {  	v10 =	vld [tilespmem:s8+$0xFFFFFFB0]  }
0x34: {  	v11 =	vld [tilespmem:s8+$0x0]  }
0x35: {  	v12 =	vld [tilespmem:s8+$0xFFFFFFF0]  }
0x36: {  	v13 =	vld [tilespmem:s8+$0xFFFFFFE0]  }
0x37: {  	v14 =	vld [tilespmem:s8+$0xFFFFFFD0]  }
0x38: {  	v7 =	vld [tilespmem:s8+$0xFFFFFFC0]  }
0x39: {  	[tilespmem:v8+s10+$0x0] =	vst.idx.add.f32.msk $0xffff, v6  }
0x3a: {  	p2 =	sgt.u32 s3, $0x8;
	[tilespmem:v9+s10+$0x0] =	vst.idx.add.f32.msk $0xffff, v6  }
.Ltmp1:
0x3b: {  	[tilespmem:v10+s10+$0x0] =	vst.idx.add.f32.msk $0xffff, v6;
	(pc) =	sbr.rel @!p2 .LBB2_5-.Ltmp1, $4  }
0x3c: {  	[tilespmem:v11+s10+$0x0] =	vst.idx.add.f32.msk $0xffff, v6  }
0x3d: {  	[tilespmem:v12+s10+$0x0] =	vst.idx.add.f32.msk $0xffff, v6  }
0x3e: {  	[tilespmem:v13+s10+$0x0] =	vst.idx.add.f32.msk $0xffff, v6  }
0x3f: {  	s17 =	sadd.s32 $0x100, s8;
	s15 =	simm.s32 $0x8;
	s16 =	sadd.s32 $0x100, s7;
	[tilespmem:v14+s10+$0x0] =	vst.idx.add.f32.msk $0xffff, v6  }
.LBB2_4:
0x40: {  	s18 =	sadd.s32 $0xFFFFFFE0, s16;
	s19 =	sor.u32 $0x70, s16;
	s15 =	sadd.s32 $0x8, s15;
	[tilespmem:v7+s10+$0x0] =	vst.idx.add.f32.msk $0xffff, v6  }
0x41: {  	s18 =	sor.u32 $0x60, s18;
	v8 =	vld [tilespmem:s19+$0x0];
	p2 =	slt.u32 s15, s3  }
0x42: {  	v9 =	vld [tilespmem:s18+$0x0]  }
0x43: {  	v10 =	vld [tilespmem:s17+$0xFFFFFFB0]  }
0x44: {  	v11 =	vld [tilespmem:s17+$0x0]  }
0x45: {  	v12 =	vld [tilespmem:s17+$0xFFFFFFF0]  }
0x46: {  	v13 =	vld [tilespmem:s17+$0xFFFFFFE0]  }
0x47: {  	v14 =	vld [tilespmem:s17+$0xFFFFFFD0]  }
0x48: {  	v7 =	vld [tilespmem:s17+$0xFFFFFFC0]  }
0x49: {  	[tilespmem:v8+s10+$0x0] =	vst.idx.add.f32.msk $0xffff, v6  }
0x4a: {  	[tilespmem:v9+s10+$0x0] =	vst.idx.add.f32.msk $0xffff, v6  }
.Ltmp2:
0x4b: {  	[tilespmem:v10+s10+$0x0] =	vst.idx.add.f32.msk $0xffff, v6;
	(pc) =	sbr.rel @p2 .LBB2_4-.Ltmp2, $4  }
0x4c: {  	[tilespmem:v11+s10+$0x0] =	vst.idx.add.f32.msk $0xffff, v6  }
0x4d: {  	[tilespmem:v12+s10+$0x0] =	vst.idx.add.f32.msk $0xffff, v6  }
0x4e: {  	[tilespmem:v13+s10+$0x0] =	vst.idx.add.f32.msk $0xffff, v6  }
0x4f: {  	s16 =	sadd.s32 $0x100, s16;
	s17 =	sadd.s32 $0x100, s17;
	[tilespmem:v14+s10+$0x0] =	vst.idx.add.f32.msk $0xffff, v6  }
.LBB2_5:
0x50: {  	_ =	sdelay $0x3  }
0x51: {  	[tilespmem:v7+s10+$0x0] =	vst.idx.add.f32.msk $0xffff, v6  }
0x52: {  	[spmem:s1] =	stream.indirect.scatter.add.f32 [tilespmem:s10], [sflag:$0x1], $0x80, s12, s11, $0xb8;
	[tilespmem:$0x7A00] =	vst v63  }
0x53: {  	_ =	swait.ge [sflag:s9], $0x2800  }
0x54: {  	[sflag:s9] =	ssyncset.done $0x0  }
0x55: {  	s14 =	sadd.s32 $0x1, s14;
	[sflag:s9] =	ssyncadd.s32 $0xFFFFD800  }
0x56: {  	s15 =	simm.s32 @p1 $0x1C01;
	p2 =	sne.s32 s14, s6;
	[bflag:$0x0] =	sbarrier.arrive $0xFFFF  }
0x57: {  	[hbm:s5], [sflag:s15] =	dma.local @p1 [spmem:s13], $0x500  }
.Ltmp3:
0x58: {  	_ = 	snop;
	(pc) =	sbr.rel @p2 .LBB2_1-.Ltmp3, $4  }
0x59: {  	s15 =	simm.s32 @p1 $0x1  }
0x5a: {  	_ =	swait.ge @p1 [sflag:s15], $0x500  }
0x5b: {  	[sflag:s15] =	ssyncset.done @p1 $0x0  }
0x5c: {  	[sflag:s15] =	ssyncadd.s32 @p1 $0xFFFFFB00  }
0x5d: {  	_ =	sfence.sel $0x180000  }
0x5e: {  	[bflag:$0x0] =	sbarrier.arrive $0xFFFF  }
0x5f: {  	_ =	strace $0x90000047  }
0x60: {  	s0 =	sadd.s32 @!p0 $0x100000, s0;
	[bflag:$0x2] =	sbarrier.arrive $0xFFFF  }
0x61: {  	[sflag:s0] =	ssyncadd.tile.s32 @!p0 $0x1;
	_ =	shalt  }
.Lfunc_end2:
_tile_overlayer_lowered:
.L_overlay_start_2:
0x62: {  	(tag) =	ssettag $0x2  }
0x63: {  	s0 =	rddreg [dreg:$0x0];
	s2 =	stileid.u32  }
0x64: {  	s1 =	rddreg [dreg:$0x1];
	p0 =	sne.s32 s2, $0x0  }
0x65: {  	s3 =	rddreg [dreg:$0x2];
	[bflag:$0x3] =	sbarrier.arrive $0xFFFF;
	s2 =	simm.s32 @!p0 $0x1C01  }
0x66: {  	[timem:s3], [sflag:s2] =	dma.local @!p0 [hbm:s0], s1  }
0x67: {  	s0 =	simm.s32 @!p0 $0x1  }
0x68: {  	_ =	swait.ge @!p0 [sflag:s0], s1  }
0x69: {  	s1 =	ssub.s32 @!p0 $0x0, s1;
	[sflag:s0] =	ssyncset.done @!p0 $0x0  }
0x6a: {  	[sflag:s0] =	ssyncadd.s32 @!p0 s1  }
0x6b: {  	[bflag:$0x3] =	sbarrier.arrive $0xFFFF  }
0x6c: {  	_ =	shalt  }

</sc_bundles>
